<compile_context>
chip_gen: v7x
topology: tpu7x:2x2x1
jax: 0.10.2.dev20260603
libtpu: 0.0.44.dev20260713+nightly
codegen_flags: <defaults>
</compile_context>

<pallas_src>
import functools

import jax
import jax.numpy as jnp
from jax import lax
from jax.experimental import pallas as pl
from jax.experimental.pallas import tpu as pltpu
from jax.experimental.pallas import tpu_sc as plsc

NUM_GROUPS = 512
GROUP_SIZE = 32

_NROWS = 8 * NUM_GROUPS
_N = 4096
_IMAX = 2147483647
_CAP = 64


def _topk_body(d_hbm, out_hbm, dbuf, sbuf, cand_s, cand_i, fs, fi, obuf):
    nc = 2
    wid = lax.axis_index("s") * nc + lax.axis_index("c")
    rows_per = _NROWS // 32
    lane = lax.broadcasted_iota(jnp.int32, (16,), 0)
    nchunks = _N // 16

    def do_row(j, carry):
        row = wid * rows_per + j
        pltpu.sync_copy(d_hbm.at[row], dbuf)

        def pass_a(c, st):
            m1, m2 = st
            v = dbuf[pl.ds(c * 16, 16)]
            b = lax.bitcast_convert_type(v, jnp.int32)
            s = b ^ (jnp.right_shift(b, 31) & jnp.int32(0x7FFFFFFF))
            sbuf[pl.ds(c * 16, 16)] = s
            lt1 = s < m1
            lt2 = s < m2
            m2 = jnp.where(lt1, m1, jnp.where(lt2, s, m2))
            m1 = jnp.where(lt1, s, m1)
            return m1, m2

        m1, m2 = lax.fori_loop(0, nchunks, pass_a,
                               (jnp.full((16,), _IMAX, jnp.int32),
                                jnp.full((16,), _IMAX, jnp.int32)), unroll=False)
        mth = lax.reduce_max(m2, axes=(0,))
        mths = jnp.full((16,), mth)

        def pass_b(c, o):
            s = sbuf[pl.ds(c * 16, 16)]
            mask = (s <= mths) & (o < _CAP)
            addr = o * 16 + lane
            plsc.store_scatter(cand_s, [addr], s, mask=mask)
            plsc.store_scatter(cand_i, [addr], c * 16 + lane, mask=mask)
            return o + jnp.where(mask, 1, 0).astype(jnp.int32)

        o = lax.fori_loop(0, nchunks, pass_b,
                          jnp.zeros((16,), jnp.int32), unroll=False)
        maxo = lax.reduce_max(o, axes=(0,))

        def merge(j2, st):
            a_s, a_i, b_s, b_i = st
            valid = o > j2
            sv = jnp.where(valid, cand_s[pl.ds(j2 * 16, 16)], _IMAX)
            iv = jnp.where(valid, cand_i[pl.ds(j2 * 16, 16)], _IMAX)
            vs, vi = plsc.sort_key_val(sv, iv)
            rs = jnp.flip(vs)
            ri = jnp.flip(vi)
            ta = (a_s < rs) | ((a_s == rs) & (a_i < ri))
            lo_s = jnp.where(ta, a_s, rs)
            lo_i = jnp.where(ta, a_i, ri)
            hi_s = jnp.where(ta, rs, a_s)
            hi_i = jnp.where(ta, ri, a_i)
            a_s, a_i = plsc.sort_key_val(lo_s, lo_i)
            hs, hi2 = plsc.sort_key_val(hi_s, hi_i)
            rs2 = jnp.flip(hs)
            ri2 = jnp.flip(hi2)
            tb = (b_s < rs2) | ((b_s == rs2) & (b_i < ri2))
            lo2_s = jnp.where(tb, b_s, rs2)
            lo2_i = jnp.where(tb, b_i, ri2)
            b_s, b_i = plsc.sort_key_val(lo2_s, lo2_i)
            return a_s, a_i, b_s, b_i

        init = (jnp.full((16,), _IMAX, jnp.int32), jnp.full((16,), _IMAX, jnp.int32),
                jnp.full((16,), _IMAX, jnp.int32), jnp.full((16,), _IMAX, jnp.int32))
        a_s, a_i, b_s, b_i = lax.fori_loop(0, maxo, merge, init, unroll=False)

        fs[pl.ds(0, 16)] = a_s
        fs[pl.ds(16, 16)] = b_s
        fi[pl.ds(0, 16)] = a_i
        fi[pl.ds(16, 16)] = b_i
        fs[pl.ds(32, 16)] = jnp.full((16,), _IMAX, jnp.int32)
        fi[pl.ds(32, 16)] = jnp.full((16,), _IMAX, jnp.int32)
        for base in (0, 1):
            ea = base + 2 * lane
            eb = ea + 1
            sa = plsc.load_gather(fs, [ea])
            sb = plsc.load_gather(fs, [eb])
            ia = plsc.load_gather(fi, [ea])
            ib = plsc.load_gather(fi, [eb])
            sw = (sa == sb) & (ia > ib)
            na = jnp.where(sw, ib, ia)
            nb = jnp.where(sw, ia, ib)
            plsc.store_scatter(fi, [ea], na)
            plsc.store_scatter(fi, [eb], nb)
        obuf[pl.ds(0, 16)] = fi[pl.ds(0, 16)]
        obuf[pl.ds(16, 16)] = fi[pl.ds(16, 16)]
        pltpu.sync_copy(obuf, out_hbm.at[row])
        return carry

    lax.fori_loop(0, rows_per, do_row, jnp.int32(0), unroll=False)


def _topk(d):
    mesh = plsc.VectorSubcoreMesh(core_axis_name="c", subcore_axis_name="s")
    f = functools.partial(
        pl.kernel,
        out_type=jax.ShapeDtypeStruct((_NROWS, GROUP_SIZE), jnp.int32),
        mesh=mesh,
        compiler_params=pltpu.CompilerParams(needs_layout_passes=False),
        scratch_types=[
            pltpu.VMEM((_N,), jnp.float32),
            pltpu.VMEM((_N,), jnp.int32),
            pltpu.VMEM((16 * _CAP,), jnp.int32),
            pltpu.VMEM((16 * _CAP,), jnp.int32),
            pltpu.VMEM((48,), jnp.int32),
            pltpu.VMEM((48,), jnp.int32),
            pltpu.VMEM((GROUP_SIZE,), jnp.int32),
        ],
    )(_topk_body)
    return f(d)


_Q = NUM_GROUPS * GROUP_SIZE


def _gather_body(x2d_hbm, pt_hbm, nidx_hbm, idxc_hbm, cpt_hbm,
                 fj_hbm, cx_hbm, gp_hbm,
                 xbuf, ibuf, icbuf, cbuf, obuf, cxbuf):
    nc = 2
    wid = lax.axis_index("s") * nc + lax.axis_index("c")
    lane = lax.broadcasted_iota(jnp.int32, (16,), 0)
    B = 8
    CPW = 128 // 32

    def do_b(b, carry0):
        pltpu.sync_copy(nidx_hbm.at[b], ibuf)
        pltpu.sync_copy(idxc_hbm.at[b], icbuf)

        def do_c(ci, carry1):
            c = wid * CPW + ci
            row = b * 128 + c
            pltpu.sync_copy(x2d_hbm.at[row], xbuf)

            def gath(j, carry2):
                idxv = ibuf[pl.ds(j * 16, 16)]
                obuf[pl.ds(j * 16, 16)] = plsc.load_gather(xbuf, [idxv])
                return carry2

            lax.fori_loop(0, _Q // 16, gath, jnp.int32(0), unroll=False)

            def gath_c(j, carry2):
                idxv = icbuf[pl.ds(j * 16, 16)]
                cxbuf[pl.ds(j * 16, 16)] = plsc.load_gather(xbuf, [idxv])
                return carry2

            lax.fori_loop(0, NUM_GROUPS // 16, gath_c, jnp.int32(0),
                          unroll=False)
            pltpu.sync_copy(obuf, fj_hbm.at[row])
            pltpu.sync_copy(cxbuf, cx_hbm.at[row])
            return carry1

        lax.fori_loop(0, CPW, do_c, jnp.int32(0), unroll=False)
        return carry0

    lax.fori_loop(0, B, do_b, jnp.int32(0), unroll=False)

    @pl.when(wid < 24)
    def _():
        b = wid // 3
        pltpu.sync_copy(nidx_hbm.at[b], ibuf)
        pltpu.sync_copy(pt_hbm.at[wid], xbuf)
        pltpu.sync_copy(cpt_hbm.at[wid], cbuf)

        def gath_p(j, carry2):
            idxv = ibuf[pl.ds(j * 16, 16)]
            vals = plsc.load_gather(xbuf, [idxv])
            midx = jnp.right_shift(j * 16 + lane, 5)
            cexp = plsc.load_gather(cbuf, [midx])
            obuf[pl.ds(j * 16, 16)] = vals - cexp
            return carry2

        lax.fori_loop(0, _Q // 16, gath_p, jnp.int32(0), unroll=False)
        pltpu.sync_copy(obuf, gp_hbm.at[wid])


def _gather(x2d, pt24, nidx2, idxc, cpt24):
    mesh = plsc.VectorSubcoreMesh(core_axis_name="c", subcore_axis_name="s")
    f = functools.partial(
        pl.kernel,
        out_type=(jax.ShapeDtypeStruct((1024, _Q), jnp.float32),
                  jax.ShapeDtypeStruct((1024, NUM_GROUPS), jnp.float32),
                  jax.ShapeDtypeStruct((24, _Q), jnp.float32)),
        mesh=mesh,
        compiler_params=pltpu.CompilerParams(needs_layout_passes=False),
        scratch_types=[
            pltpu.VMEM((_N,), jnp.float32),
            pltpu.VMEM((_Q,), jnp.int32),
            pltpu.VMEM((NUM_GROUPS,), jnp.int32),
            pltpu.VMEM((NUM_GROUPS,), jnp.float32),
            pltpu.VMEM((_Q,), jnp.float32),
            pltpu.VMEM((NUM_GROUPS,), jnp.float32),
        ],
    )(_gather_body)
    return f(x2d, pt24, nidx2, idxc, cpt24)


def _fps_body(px_ref, py_ref, pz_ref, idx_ref, cpx_ref, cpy_ref, cpz_ref,
              dist_ref):
    B, N = px_ref.shape
    M = idx_ref.shape[1]
    px = px_ref[:]
    py = py_ref[:]
    pz = pz_ref[:]
    lane = jax.lax.broadcasted_iota(jnp.int32, (B, N), 1)
    mlane = jax.lax.broadcasted_iota(jnp.int32, (B, M), 1)
    idx_ref[:] = jnp.zeros((B, M), jnp.int32)
    cpx_ref[:] = jnp.zeros((B, M), jnp.float32)
    cpy_ref[:] = jnp.zeros((B, M), jnp.float32)
    cpz_ref[:] = jnp.zeros((B, M), jnp.float32)
    dist_ref[:] = jnp.full((B, N), 1e10, jnp.float32)

    def gather_last(last):
        oh = (lane == last).astype(jnp.float32)
        lx = jnp.sum(px * oh, axis=1, keepdims=True)
        ly = jnp.sum(py * oh, axis=1, keepdims=True)
        lz = jnp.sum(pz * oh, axis=1, keepdims=True)
        return lx, ly, lz

    def body(i, last):
        lx, ly, lz = gather_last(last)
        sel = (mlane == i - 1)
        cpx_ref[:] = jnp.where(sel, lx, cpx_ref[:])
        cpy_ref[:] = jnp.where(sel, ly, cpy_ref[:])
        cpz_ref[:] = jnp.where(sel, lz, cpz_ref[:])
        dx = px - lx
        dy = py - ly
        dz = pz - lz
        d = dx * dx + dy * dy + dz * dz
        dist = jnp.minimum(dist_ref[:], d)
        dist_ref[:] = dist
        m = jnp.max(dist, axis=1, keepdims=True)
        cand = jnp.where(dist == m, lane, N)
        nxt = jnp.min(cand, axis=1, keepdims=True)
        idx_ref[:] = idx_ref[:] + jnp.where(mlane == i, nxt, 0)
        return nxt

    last = jax.lax.fori_loop(1, M, body, jnp.zeros((B, 1), jnp.int32),
                             unroll=False)
    lx, ly, lz = gather_last(last)
    sel = (mlane == M - 1)
    cpx_ref[:] = jnp.where(sel, lx, cpx_ref[:])
    cpy_ref[:] = jnp.where(sel, ly, cpy_ref[:])
    cpz_ref[:] = jnp.where(sel, lz, cpz_ref[:])


def _fps(p):
    B, N, _ = p.shape
    px = p[:, :, 0]
    py = p[:, :, 1]
    pz = p[:, :, 2]
    shp = jax.ShapeDtypeStruct((B, NUM_GROUPS), jnp.float32)
    return pl.pallas_call(
        _fps_body,
        out_shape=(jax.ShapeDtypeStruct((B, NUM_GROUPS), jnp.int32),
                   shp, shp, shp),
        scratch_shapes=[pltpu.VMEM((B, N), jnp.float32)],
    )(px, py, pz)


def _dist_body(cpx_ref, cpy_ref, cpz_ref, px_ref, py_ref, pz_ref, out_ref):
    cx = cpx_ref[0]
    cy = cpy_ref[0]
    cz = cpz_ref[0]
    px = px_ref[0]
    py = py_ref[0]
    pz = pz_ref[0]

    def bf(v):
        return v.astype(jnp.bfloat16).astype(jnp.float32)

    dot = (bf(cx) * bf(px) + bf(cy) * bf(py)) + bf(cz) * bf(pz)
    csq = (cx * cx + cy * cy) + cz * cz
    psq = (px * px + py * py) + pz * pz
    out_ref[0] = (csq - 2.0 * dot) + psq


def _dist(cpx, cpy, cpz, p):
    B, N, _ = p.shape
    M = NUM_GROUPS
    MB = 128
    cspec = pl.BlockSpec((1, MB, 1), lambda b, mb: (b, mb, 0))
    pspec = pl.BlockSpec((1, 1, N), lambda b, mb: (b, 0, 0))
    c3 = lambda a: a[:, :, None]
    p3 = lambda i: p[:, :, i][:, None, :]
    return pl.pallas_call(
        _dist_body,
        grid=(B, M // MB),
        in_specs=[cspec, cspec, cspec, pspec, pspec, pspec],
        out_specs=pl.BlockSpec((1, MB, N), lambda b, mb: (b, mb, 0)),
        out_shape=jax.ShapeDtypeStruct((B, M, N), jnp.float32),
    )(c3(cpx), c3(cpy), c3(cpz), p3(0), p3(1), p3(2))


def kernel(p, x):
    B, C, N = x.shape
    idx, cpx, cpy, cpz = _fps(p)
    center_p = jnp.stack([cpx, cpy, cpz], axis=-1)
    d = _dist(cpx, cpy, cpz, p)
    nidx = _topk(d.reshape(_NROWS, _N))
    x2d = x.reshape(B * C, N)
    pt24 = jnp.transpose(p, (0, 2, 1)).reshape(B * 3, N)
    nidx2 = nidx.reshape(B, NUM_GROUPS * GROUP_SIZE)
    cpt24 = jnp.stack([cpx, cpy, cpz], axis=1).reshape(B * 3, NUM_GROUPS)
    fj_flat, cx_flat, gp_flat = _gather(x2d, pt24, nidx2, idx, cpt24)
    fj = fj_flat.reshape(B, C, NUM_GROUPS, GROUP_SIZE)
    center_x = cx_flat.reshape(B, C, NUM_GROUPS, 1)
    grouped_p = gp_flat.reshape(B, 3, NUM_GROUPS, GROUP_SIZE)
    return (grouped_p, center_p, fj, center_x)

# --- scband reference (transcript-rebuilt; emitter-appended) ---
"""Pipeline reference for scband-subsample-group-60610578481795 (READ-ONLY COPY).

The authoritative reference and input builder live on the scoring server;
editing this copy changes nothing except your own understanding.
"""

import jax, jax.numpy as jnp
import numpy as np

NUM_GROUPS = 512
GROUP_SIZE = 32


def furthest_point_sample(p, npoint):
    # Deterministic FPS starting from index 0, matching the CUDA kernel semantics.
    B, N, _ = p.shape
    idx0 = jnp.zeros((B, npoint), dtype=jnp.int32)
    dist0 = jnp.full((B, N), 1e10, dtype=p.dtype)
    last0 = jnp.zeros((B,), dtype=jnp.int32)

    def body(i, state):
        idx, dist, last = state
        last_pt = jnp.take_along_axis(p, last[:, None, None], axis=1)  # (B,1,3)
        d = jnp.sum((p - last_pt) ** 2, axis=-1)  # (B,N)
        dist = jnp.minimum(dist, d)
        nxt = jnp.argmax(dist, axis=-1).astype(jnp.int32)
        idx = idx.at[:, i].set(nxt)
        return (idx, dist, nxt)

    idx, _, _ = jax.lax.fori_loop(1, npoint, body, (idx0, dist0, last0))
    return idx.astype(jnp.int64)


def knn_group(center_p, p, x, nsample):
    # pairwise squared distances (B, M, N)
    d = (jnp.sum(center_p ** 2, axis=-1)[:, :, None]
         - 2.0 * jnp.einsum('bmd,bnd->bmn', center_p, p)
         + jnp.sum(p ** 2, axis=-1)[:, None, :])
    _, nidx = jax.lax.top_k(-d, nsample)  # (B, M, nsample) smallest distances
    # gather grouped xyz: (B, M, nsample, 3)
    grouped_p = jnp.take_along_axis(p[:, None, :, :], nidx[:, :, :, None], axis=2)
    grouped_p = jnp.transpose(grouped_p, (0, 3, 1, 2))  # (B, 3, M, nsample)
    # relative xyz (KNNGroup default relative_xyz=True)
    grouped_p = grouped_p - jnp.transpose(center_p, (0, 2, 1))[:, :, :, None]
    # gather grouped features: x (B, C, N) -> (B, C, M, nsample)
    fj = jnp.take_along_axis(x[:, :, None, :], nidx[:, None, :, :], axis=3)
    return grouped_p, fj


def setup_inputs(seed: int = 0) -> dict:
    key = jax.random.key(seed)
    k1, k2 = jax.random.split(key)
    p = jax.random.uniform(k1, (8, 4096, 3), dtype=jnp.float32)
    x = jax.random.normal(k2, (8, 128, 4096), dtype=jnp.float32)
    return {"p": p, "x": x}


def reference(p, x):
    idx = furthest_point_sample(p, NUM_GROUPS)  # (B, M) int64
    # center_p = gather(p, 1, idx) -> (B, M, 3)
    center_p = jnp.take_along_axis(p, idx[:, :, None], axis=1)
    B, C, N = x.shape
    # center_x = gather(x, 2, idx) -> (B, C, M, 1)
    center_x = jnp.take_along_axis(x, idx[:, None, :], axis=2)[..., None]
    grouped_p, fj = knn_group(center_p, p, x, GROUP_SIZE)
    return (grouped_p, center_p, fj, center_x)

if __name__ == "__main__":
    import jax
    _d = setup_inputs()
    print(jax.jit(kernel)(*tuple(_d.values())))

</pallas_src>

<mosaic_0001>
#map = affine_map<(d0, d1) -> (0, 0)>
module attributes {stable_mosaic.version = 14 : i64} {
  func.func @_topk_body(%arg0: i32, %arg1: i32, %arg2: memref<4096x4096xf32, #tpu.memory_space<hbm>>, %arg3: memref<4096x32xi32, #tpu.memory_space<hbm>>, %arg4: memref<4096xf32, #tpu.memory_space<vmem>>, %arg5: memref<4096xi32, #tpu.memory_space<vmem>>, %arg6: memref<1024xi32, #tpu.memory_space<vmem>>, %arg7: memref<1024xi32, #tpu.memory_space<vmem>>, %arg8: memref<48xi32, #tpu.memory_space<vmem>>, %arg9: memref<48xi32, #tpu.memory_space<vmem>>, %arg10: memref<32xi32, #tpu.memory_space<vmem>>) attributes {dimension_semantics = [#tpu.dimension_semantics<core_parallel>, #tpu.dimension_semantics<subcore_parallel>], iteration_bounds = array<i64: 2, 16>, scalar_prefetch = 0 : i64, scratch_operands = 7 : i64, tpu.core_type = #tpu.core_type<sc_vector_subcore>, window_params = [{transform_indices = #map}, {transform_indices = #map}]} {
    %mul3A = arith.constant 2 : i32
    %mul3A_0 = arith.muli %arg1, %mul3A : i32
    %add3A = arith.addi %mul3A_0, %arg0 : i32
    %iota3A = tpu.iota {dimensions = array<i32: 0>} : vector<16xi32>
    %scan3A = arith.constant 0 : i32
    %scan3A_1 = arith.constant 0 : i32
    %scan3A_2 = arith.constant 128 : i32
    %scan3A_3 = arith.addi %scan3A_1, %scan3A_2 : i32
    %scan3A_4 = arith.constant 1 : i32
    scf.for %scan3A_6 = %scan3A_1 to %scan3A_3 step %scan3A_4  : i32 {
      %mul3A_7 = arith.constant 128 : i32
      %mul3A_8 = arith.muli %add3A, %mul3A_7 : i32
      %add3A_9 = arith.addi %mul3A_8, %scan3A_6 : i32
      "tpu.region"() ({
        %run_scoped3A = tpu.sem_alloc : memref<!tpu.dma_semaphore, #tpu.memory_space<semaphore_mem>>
        %dma_start3A = arith.constant 0 : i32
        %dma_start3A_114 = tpu.memref_slice %arg2[%add3A_9, %dma_start3A] : memref<4096x4096xf32, #tpu.memory_space<hbm>> -> memref<1x4096xf32, #tpu.memory_space<hbm>>
        %dma_start3A_115 = tpu.memref_squeeze %dma_start3A_114 : memref<1x4096xf32, #tpu.memory_space<hbm>> -> memref<4096xf32, #tpu.memory_space<hbm>>
        %dma_start3A_116 = arith.constant 0 : i32
        %dma_start3A_117 = tpu.memref_slice %arg2[%add3A_9, %dma_start3A_116] : memref<4096x4096xf32, #tpu.memory_space<hbm>> -> memref<1x4096xf32, #tpu.memory_space<hbm>>
        %dma_start3A_118 = tpu.memref_squeeze %dma_start3A_117 : memref<1x4096xf32, #tpu.memory_space<hbm>> -> memref<4096xf32, #tpu.memory_space<hbm>>
        tpu.enqueue_dma source(%dma_start3A_118 : memref<4096xf32, #tpu.memory_space<hbm>>) target(%arg4 : memref<4096xf32, #tpu.memory_space<vmem>>) target_semaphore(%run_scoped3A : memref<!tpu.dma_semaphore, #tpu.memory_space<semaphore_mem>>)
        %dma_wait3A = arith.constant 0 : i32
        %dma_wait3A_119 = tpu.memref_slice %arg2[%add3A_9, %dma_wait3A] : memref<4096x4096xf32, #tpu.memory_space<hbm>> -> memref<1x4096xf32, #tpu.memory_space<hbm>>
        %dma_wait3A_120 = tpu.memref_squeeze %dma_wait3A_119 : memref<1x4096xf32, #tpu.memory_space<hbm>> -> memref<4096xf32, #tpu.memory_space<hbm>>
        %dma_wait3A_121 = arith.constant 0 : i32
        %dma_wait3A_122 = tpu.memref_slice %arg2[%add3A_9, %dma_wait3A_121] : memref<4096x4096xf32, #tpu.memory_space<hbm>> -> memref<1x4096xf32, #tpu.memory_space<hbm>>
        %dma_wait3A_123 = tpu.memref_squeeze %dma_wait3A_122 : memref<1x4096xf32, #tpu.memory_space<hbm>> -> memref<4096xf32, #tpu.memory_space<hbm>>
        tpu.wait_dma2 semaphore(%run_scoped3A : memref<!tpu.dma_semaphore, #tpu.memory_space<semaphore_mem>>) src(%dma_wait3A_123 : memref<4096xf32, #tpu.memory_space<hbm>>) dst(%arg4 : memref<4096xf32, #tpu.memory_space<vmem>>)
        tpu.yield
      }) : () -> ()
      %broadcast_in_dim3A = arith.constant 2147483647 : i32
      %broadcast_in_dim3A_10 = vector.broadcast %broadcast_in_dim3A : i32 to vector<16xi32>
      %broadcast_in_dim3A_11 = arith.constant 2147483647 : i32
      %broadcast_in_dim3A_12 = vector.broadcast %broadcast_in_dim3A_11 : i32 to vector<16xi32>
      %scan3A_13 = arith.constant 0 : i32
      %scan3A_14 = arith.constant 256 : i32
      %scan3A_15 = arith.addi %scan3A_13, %scan3A_14 : i32
      %scan3A_16 = arith.constant 1 : i32
      %scan3A_17:2 = scf.for %scan3A_114 = %scan3A_13 to %scan3A_15 step %scan3A_16 iter_args(%scan3A_115 = %broadcast_in_dim3A_10, %scan3A_116 = %broadcast_in_dim3A_12) -> (vector<16xi32>, vector<16xi32>)  : i32 {
        %mul3A_117 = arith.constant 16 : i32
        %mul3A_118 = arith.muli %scan3A_114, %mul3A_117 : i32
        %get3A_119 = arith.index_cast %mul3A_118 : i32 to index
        %get3A_120 = tpu.vector_load %arg4[%get3A_119] {strides = array<i32>} : memref<4096xf32, #tpu.memory_space<vmem>>, vector<16xf32>,
        %bitcast_convert_type3A = tpu.bitcast %get3A_120 : vector<16xf32> -> vector<16xi32>
        %shift_right_arithmetic3A = arith.constant 31 : i32
        %shift_right_arithmetic3A_121 = vector.broadcast %shift_right_arithmetic3A : i32 to vector<16xi32>
        %shift_right_arithmetic3A_122 = arith.shrsi %bitcast_convert_type3A, %shift_right_arithmetic3A_121 : vector<16xi32>
        %and3A_123 = arith.constant 2147483647 : i32
        %and3A_124 = vector.broadcast %and3A_123 : i32 to vector<16xi32>
        %and3A_125 = arith.andi %shift_right_arithmetic3A_122, %and3A_124 : vector<16xi32>
        %xor3A = arith.xori %bitcast_convert_type3A, %and3A_125 : vector<16xi32>
        %mul3A_126 = arith.constant 16 : i32
        %mul3A_127 = arith.muli %scan3A_114, %mul3A_126 : i32
        %swap3A_128 = arith.index_cast %mul3A_127 : i32 to index
        %swap3A_129 = tpu.vector_load %arg5[%swap3A_128] {strides = array<i32>} : memref<4096xi32, #tpu.memory_space<vmem>>, vector<16xi32>,
        tpu.vector_store %arg5[%swap3A_128], %xor3A {strides = array<i32>} : memref<4096xi32, #tpu.memory_space<vmem>>, vector<16xi32>,
        %lt3A = arith.cmpi slt, %xor3A, %scan3A_115 : vector<16xi32>
        %lt3A_130 = arith.cmpi slt, %xor3A, %scan3A_116 : vector<16xi32>
        %select_n3A_131 = arith.select %lt3A_130, %xor3A, %scan3A_116 : vector<16xi1>, vector<16xi32>
        %select_n3A_132 = arith.select %lt3A, %scan3A_115, %select_n3A_131 : vector<16xi1>, vector<16xi32>
        %select_n3A_133 = arith.select %lt3A, %xor3A, %scan3A_115 : vector<16xi1>, vector<16xi32>
        scf.yield %select_n3A_133, %select_n3A_132 : vector<16xi32>, vector<16xi32>
      }
      %scan3A_18 = arith.constant 256 : i32
      %reduce_max3A = arith.constant true
      %reduce_max3A_19 = vector.broadcast %reduce_max3A : i1 to vector<16xi1>
      %reduce_max3A_20 = arith.constant -2147483648 : i32
      %reduce_max3A_21 = vector.broadcast %reduce_max3A_20 : i32 to vector<16xi32>
      %reduce_max3A_22 = arith.xori %scan3A_17#1, %reduce_max3A_21 : vector<16xi32>
      %reduce_max3A_23 = tpu.scan <max>, %reduce_max3A_22 masked %reduce_max3A_19 : vector<16xi32>, vector<16xi1> -> vector<16xi32>
      %reduce_max3A_24 = arith.xori %reduce_max3A_23, %reduce_max3A_21 : vector<16xi32>
      %reduce_max3A_25 = vector.extract %reduce_max3A_24[15] : i32 from vector<16xi32>
      %broadcast_in_dim3A_26 = vector.broadcast %reduce_max3A_25 : i32 to vector<16xi32>
      %broadcast_in_dim3A_27 = arith.constant 0 : i32
      %broadcast_in_dim3A_28 = vector.broadcast %broadcast_in_dim3A_27 : i32 to vector<16xi32>
      %scan3A_29 = arith.constant 0 : i32
      %scan3A_30 = arith.constant 256 : i32
      %scan3A_31 = arith.addi %scan3A_29, %scan3A_30 : i32
      %scan3A_32 = arith.constant 1 : i32
      %scan3A_33 = scf.for %scan3A_114 = %scan3A_29 to %scan3A_31 step %scan3A_32 iter_args(%scan3A_115 = %broadcast_in_dim3A_28) -> (vector<16xi32>)  : i32 {
        %mul3A_116 = arith.constant 16 : i32
        %mul3A_117 = arith.muli %scan3A_114, %mul3A_116 : i32
        %get3A_118 = arith.index_cast %mul3A_117 : i32 to index
        %get3A_119 = tpu.vector_load %arg5[%get3A_118] {strides = array<i32>} : memref<4096xi32, #tpu.memory_space<vmem>>, vector<16xi32>,
        %le3A = arith.cmpi sle, %get3A_119, %broadcast_in_dim3A_26 : vector<16xi32>
        %lt3A = arith.constant 64 : i32
        %lt3A_120 = vector.broadcast %lt3A : i32 to vector<16xi32>
        %lt3A_121 = arith.cmpi slt, %scan3A_115, %lt3A_120 : vector<16xi32>
        %and3A_122 = arith.andi %le3A, %lt3A_121 : vector<16xi1>
        %mul3A_123 = arith.constant 16 : i32
        %mul3A_124 = vector.broadcast %mul3A_123 : i32 to vector<16xi32>
        %mul3A_125 = arith.muli %scan3A_115, %mul3A_124 : vector<16xi32>
        %add3A_126 = arith.addi %mul3A_125, %iota3A : vector<16xi32>
        tpu.vector_store_idx %arg6[%add3A_126], %get3A_119 masked %and3A_122 : memref<1024xi32, #tpu.memory_space<vmem>>[vector<16xi32>], vector<16xi32>, vector<16xi1>
        %mul3A_127 = arith.constant 16 : i32
        %mul3A_128 = arith.muli %scan3A_114, %mul3A_127 : i32
        %add3A_129 = vector.broadcast %mul3A_128 : i32 to vector<16xi32>
        %add3A_130 = arith.addi %add3A_129, %iota3A : vector<16xi32>
        tpu.vector_store_idx %arg7[%add3A_126], %add3A_130 masked %and3A_122 : memref<1024xi32, #tpu.memory_space<vmem>>[vector<16xi32>], vector<16xi32>, vector<16xi1>
        %jit3A = arith.constant 1 : i32
        %jit3A_131 = arith.constant 0 : i32
        %broadcast_in_dim3A_132 = vector.broadcast %jit3A : i32 to vector<16xi32>
        %broadcast_in_dim3A_133 = vector.broadcast %jit3A_131 : i32 to vector<16xi32>
        %select_n3A_134 = arith.select %and3A_122, %broadcast_in_dim3A_132, %broadcast_in_dim3A_133 : vector<16xi1>, vector<16xi32>
        %add3A_135 = arith.addi %scan3A_115, %select_n3A_134 : vector<16xi32>
        scf.yield %add3A_135 : vector<16xi32>
      }
      %scan3A_34 = arith.constant 256 : i32
      %reduce_max3A_35 = arith.constant true
      %reduce_max3A_36 = vector.broadcast %reduce_max3A_35 : i1 to vector<16xi1>
      %reduce_max3A_37 = arith.constant -2147483648 : i32
      %reduce_max3A_38 = vector.broadcast %reduce_max3A_37 : i32 to vector<16xi32>
      %reduce_max3A_39 = arith.xori %scan3A_33, %reduce_max3A_38 : vector<16xi32>
      %reduce_max3A_40 = tpu.scan <max>, %reduce_max3A_39 masked %reduce_max3A_36 : vector<16xi32>, vector<16xi1> -> vector<16xi32>
      %reduce_max3A_41 = arith.xori %reduce_max3A_40, %reduce_max3A_38 : vector<16xi32>
      %reduce_max3A_42 = vector.extract %reduce_max3A_41[15] : i32 from vector<16xi32>
      %broadcast_in_dim3A_43 = arith.constant 2147483647 : i32
      %broadcast_in_dim3A_44 = vector.broadcast %broadcast_in_dim3A_43 : i32 to vector<16xi32>
      %broadcast_in_dim3A_45 = arith.constant 2147483647 : i32
      %broadcast_in_dim3A_46 = vector.broadcast %broadcast_in_dim3A_45 : i32 to vector<16xi32>
      %broadcast_in_dim3A_47 = arith.constant 2147483647 : i32
      %broadcast_in_dim3A_48 = vector.broadcast %broadcast_in_dim3A_47 : i32 to vector<16xi32>
      %broadcast_in_dim3A_49 = arith.constant 2147483647 : i32
      %broadcast_in_dim3A_50 = vector.broadcast %broadcast_in_dim3A_49 : i32 to vector<16xi32>
      %while3A = arith.constant 0 : i32
      %while3A_51 = arith.subi %reduce_max3A_42, %while3A : i32
      %while3A_52 = arith.addi %while3A, %while3A_51 : i32
      %while3A_53 = arith.constant 1 : i32
      %while3A_54 = arith.divsi %while3A_51, %while3A_53 : i32
      %while3A_55 = arith.muli %while3A_54, %while3A_53 : i32
      %while3A_56 = arith.addi %while3A, %while3A_55 : i32
      %while3A_57 = arith.constant 1 : i32
      %while3A_58:4 = scf.for %while3A_114 = %while3A to %while3A_56 step %while3A_57 iter_args(%while3A_115 = %broadcast_in_dim3A_44, %while3A_116 = %broadcast_in_dim3A_46, %while3A_117 = %broadcast_in_dim3A_48, %while3A_118 = %broadcast_in_dim3A_50) -> (vector<16xi32>, vector<16xi32>, vector<16xi32>, vector<16xi32>)  : i32 {
        %gt3A_119 = vector.broadcast %while3A_114 : i32 to vector<16xi32>
        %gt3A_120 = arith.cmpi sgt, %scan3A_33, %gt3A_119 : vector<16xi32>
        %mul3A_121 = arith.constant 16 : i32
        %mul3A_122 = arith.muli %while3A_114, %mul3A_121 : i32
        %get3A_123 = arith.index_cast %mul3A_122 : i32 to index
        %get3A_124 = tpu.vector_load %arg6[%get3A_123] {strides = array<i32>} : memref<1024xi32, #tpu.memory_space<vmem>>, vector<16xi32>,
        %jit3A = arith.constant 2147483647 : i32
        %broadcast_in_dim3A_125 = vector.broadcast %jit3A : i32 to vector<16xi32>
        %select_n3A_126 = arith.select %gt3A_120, %get3A_124, %broadcast_in_dim3A_125 : vector<16xi1>, vector<16xi32>
        %mul3A_127 = arith.constant 16 : i32
        %mul3A_128 = arith.muli %while3A_114, %mul3A_127 : i32
        %get3A_129 = arith.index_cast %mul3A_128 : i32 to index
        %get3A_130 = tpu.vector_load %arg7[%get3A_129] {strides = array<i32>} : memref<1024xi32, #tpu.memory_space<vmem>>, vector<16xi32>,
        %jit3A_131 = arith.constant 2147483647 : i32
        %broadcast_in_dim3A_132 = vector.broadcast %jit3A_131 : i32 to vector<16xi32>
        %select_n3A_133 = arith.select %gt3A_120, %get3A_130, %broadcast_in_dim3A_132 : vector<16xi1>, vector<16xi32>
        %masked_sort3A = arith.constant dense<true> : vector<16xi1>
        %masked_sort3A_134 = arith.constant -2147483648 : i32
        %masked_sort3A_135 = vector.broadcast %masked_sort3A_134 : i32 to vector<16xi32>
        %masked_sort3A_136 = arith.xori %select_n3A_126, %masked_sort3A_135 : vector<16xi32>
        %masked_sort3A_137, %masked_sort3A_138, %masked_sort3A_139 = tpu.sort %masked_sort3A_136, %select_n3A_133 masked %masked_sort3A : (vector<16xi32>, vector<16xi32>, vector<16xi1>) -> (vector<16xi1>, vector<16xi32>, vector<16xi32>)
        %masked_sort3A_140 = arith.xori %masked_sort3A_138, %masked_sort3A_135 : vector<16xi32>
        %rev3A = arith.constant 15 : i32
        %rev3A_141 = vector.broadcast %rev3A : i32 to vector<16xi32>
        %rev3A_142 = tpu.iota {dimensions = array<i32: 0>} : vector<16xi32>
        %rev3A_143 = arith.subi %rev3A_141, %rev3A_142 : vector<16xi32>
        %rev3A_144 = tpu.dynamic_gather %masked_sort3A_140[%rev3A_143] in [0] : vector<16xi32>, vector<16xi32> -> vector<16xi32>
        %rev3A_145 = arith.constant 15 : i32
        %rev3A_146 = vector.broadcast %rev3A_145 : i32 to vector<16xi32>
        %rev3A_147 = tpu.iota {dimensions = array<i32: 0>} : vector<16xi32>
        %rev3A_148 = arith.subi %rev3A_146, %rev3A_147 : vector<16xi32>
        %rev3A_149 = tpu.dynamic_gather %masked_sort3A_139[%rev3A_148] in [0] : vector<16xi32>, vector<16xi32> -> vector<16xi32>
        %lt3A = arith.cmpi slt, %while3A_115, %rev3A_144 : vector<16xi32>
        %eq3A_150 = arith.cmpi eq, %while3A_115, %rev3A_144 : vector<16xi32>
        %lt3A_151 = arith.cmpi slt, %while3A_116, %rev3A_149 : vector<16xi32>
        %and3A_152 = arith.andi %eq3A_150, %lt3A_151 : vector<16xi1>
        %or3A = arith.ori %lt3A, %and3A_152 : vector<16xi1>
        %select_n3A_153 = arith.select %or3A, %while3A_115, %rev3A_144 : vector<16xi1>, vector<16xi32>
        %select_n3A_154 = arith.select %or3A, %while3A_116, %rev3A_149 : vector<16xi1>, vector<16xi32>
        %select_n3A_155 = arith.select %or3A, %rev3A_144, %while3A_115 : vector<16xi1>, vector<16xi32>
        %select_n3A_156 = arith.select %or3A, %rev3A_149, %while3A_116 : vector<16xi1>, vector<16xi32>
        %masked_sort3A_157 = arith.constant dense<true> : vector<16xi1>
        %masked_sort3A_158 = arith.constant -2147483648 : i32
        %masked_sort3A_159 = vector.broadcast %masked_sort3A_158 : i32 to vector<16xi32>
        %masked_sort3A_160 = arith.xori %select_n3A_153, %masked_sort3A_159 : vector<16xi32>
        %masked_sort3A_161, %masked_sort3A_162, %masked_sort3A_163 = tpu.sort %masked_sort3A_160, %select_n3A_154 masked %masked_sort3A_157 : (vector<16xi32>, vector<16xi32>, vector<16xi1>) -> (vector<16xi1>, vector<16xi32>, vector<16xi32>)
        %masked_sort3A_164 = arith.xori %masked_sort3A_162, %masked_sort3A_159 : vector<16xi32>
        %masked_sort3A_165 = arith.constant dense<true> : vector<16xi1>
        %masked_sort3A_166 = arith.constant -2147483648 : i32
        %masked_sort3A_167 = vector.broadcast %masked_sort3A_166 : i32 to vector<16xi32>
        %masked_sort3A_168 = arith.xori %select_n3A_155, %masked_sort3A_167 : vector<16xi32>
        %masked_sort3A_169, %masked_sort3A_170, %masked_sort3A_171 = tpu.sort %masked_sort3A_168, %select_n3A_156 masked %masked_sort3A_165 : (vector<16xi32>, vector<16xi32>, vector<16xi1>) -> (vector<16xi1>, vector<16xi32>, vector<16xi32>)
        %masked_sort3A_172 = arith.xori %masked_sort3A_170, %masked_sort3A_167 : vector<16xi32>
        %rev3A_173 = arith.constant 15 : i32
        %rev3A_174 = vector.broadcast %rev3A_173 : i32 to vector<16xi32>
        %rev3A_175 = tpu.iota {dimensions = array<i32: 0>} : vector<16xi32>
        %rev3A_176 = arith.subi %rev3A_174, %rev3A_175 : vector<16xi32>
        %rev3A_177 = tpu.dynamic_gather %masked_sort3A_172[%rev3A_176] in [0] : vector<16xi32>, vector<16xi32> -> vector<16xi32>
        %rev3A_178 = arith.constant 15 : i32
        %rev3A_179 = vector.broadcast %rev3A_178 : i32 to vector<16xi32>
        %rev3A_180 = tpu.iota {dimensions = array<i32: 0>} : vector<16xi32>
        %rev3A_181 = arith.subi %rev3A_179, %rev3A_180 : vector<16xi32>
        %rev3A_182 = tpu.dynamic_gather %masked_sort3A_171[%rev3A_181] in [0] : vector<16xi32>, vector<16xi32> -> vector<16xi32>
        %lt3A_183 = arith.cmpi slt, %while3A_117, %rev3A_177 : vector<16xi32>
        %eq3A_184 = arith.cmpi eq, %while3A_117, %rev3A_177 : vector<16xi32>
        %lt3A_185 = arith.cmpi slt, %while3A_118, %rev3A_182 : vector<16xi32>
        %and3A_186 = arith.andi %eq3A_184, %lt3A_185 : vector<16xi1>
        %or3A_187 = arith.ori %lt3A_183, %and3A_186 : vector<16xi1>
        %select_n3A_188 = arith.select %or3A_187, %while3A_117, %rev3A_177 : vector<16xi1>, vector<16xi32>
        %select_n3A_189 = arith.select %or3A_187, %while3A_118, %rev3A_182 : vector<16xi1>, vector<16xi32>
        %masked_sort3A_190 = arith.constant dense<true> : vector<16xi1>
        %masked_sort3A_191 = arith.constant -2147483648 : i32
        %masked_sort3A_192 = vector.broadcast %masked_sort3A_191 : i32 to vector<16xi32>
        %masked_sort3A_193 = arith.xori %select_n3A_188, %masked_sort3A_192 : vector<16xi32>
        %masked_sort3A_194, %masked_sort3A_195, %masked_sort3A_196 = tpu.sort %masked_sort3A_193, %select_n3A_189 masked %masked_sort3A_190 : (vector<16xi32>, vector<16xi32>, vector<16xi1>) -> (vector<16xi1>, vector<16xi32>, vector<16xi32>)
        %masked_sort3A_197 = arith.xori %masked_sort3A_195, %masked_sort3A_192 : vector<16xi32>
        scf.yield %masked_sort3A_164, %masked_sort3A_163, %masked_sort3A_197, %masked_sort3A_196 : vector<16xi32>, vector<16xi32>, vector<16xi32>, vector<16xi32>
      }
      %while3A_59 = arith.constant 1 : i32
      %while3A_60:4 = scf.for %while3A_114 = %while3A_56 to %while3A_52 step %while3A_59 iter_args(%while3A_115 = %while3A_58#0, %while3A_116 = %while3A_58#1, %while3A_117 = %while3A_58#2, %while3A_118 = %while3A_58#3) -> (vector<16xi32>, vector<16xi32>, vector<16xi32>, vector<16xi32>)  : i32 {
        %gt3A_119 = vector.broadcast %while3A_114 : i32 to vector<16xi32>
        %gt3A_120 = arith.cmpi sgt, %scan3A_33, %gt3A_119 : vector<16xi32>
        %mul3A_121 = arith.constant 16 : i32
        %mul3A_122 = arith.muli %while3A_114, %mul3A_121 : i32
        %get3A_123 = arith.index_cast %mul3A_122 : i32 to index
        %get3A_124 = tpu.vector_load %arg6[%get3A_123] {strides = array<i32>} : memref<1024xi32, #tpu.memory_space<vmem>>, vector<16xi32>,
        %jit3A = arith.constant 2147483647 : i32
        %broadcast_in_dim3A_125 = vector.broadcast %jit3A : i32 to vector<16xi32>
        %select_n3A_126 = arith.select %gt3A_120, %get3A_124, %broadcast_in_dim3A_125 : vector<16xi1>, vector<16xi32>
        %mul3A_127 = arith.constant 16 : i32
        %mul3A_128 = arith.muli %while3A_114, %mul3A_127 : i32
        %get3A_129 = arith.index_cast %mul3A_128 : i32 to index
        %get3A_130 = tpu.vector_load %arg7[%get3A_129] {strides = array<i32>} : memref<1024xi32, #tpu.memory_space<vmem>>, vector<16xi32>,
        %jit3A_131 = arith.constant 2147483647 : i32
        %broadcast_in_dim3A_132 = vector.broadcast %jit3A_131 : i32 to vector<16xi32>
        %select_n3A_133 = arith.select %gt3A_120, %get3A_130, %broadcast_in_dim3A_132 : vector<16xi1>, vector<16xi32>
        %masked_sort3A = arith.constant dense<true> : vector<16xi1>
        %masked_sort3A_134 = arith.constant -2147483648 : i32
        %masked_sort3A_135 = vector.broadcast %masked_sort3A_134 : i32 to vector<16xi32>
        %masked_sort3A_136 = arith.xori %select_n3A_126, %masked_sort3A_135 : vector<16xi32>
        %masked_sort3A_137, %masked_sort3A_138, %masked_sort3A_139 = tpu.sort %masked_sort3A_136, %select_n3A_133 masked %masked_sort3A : (vector<16xi32>, vector<16xi32>, vector<16xi1>) -> (vector<16xi1>, vector<16xi32>, vector<16xi32>)
        %masked_sort3A_140 = arith.xori %masked_sort3A_138, %masked_sort3A_135 : vector<16xi32>
        %rev3A = arith.constant 15 : i32
        %rev3A_141 = vector.broadcast %rev3A : i32 to vector<16xi32>
        %rev3A_142 = tpu.iota {dimensions = array<i32: 0>} : vector<16xi32>
        %rev3A_143 = arith.subi %rev3A_141, %rev3A_142 : vector<16xi32>
        %rev3A_144 = tpu.dynamic_gather %masked_sort3A_140[%rev3A_143] in [0] : vector<16xi32>, vector<16xi32> -> vector<16xi32>
        %rev3A_145 = arith.constant 15 : i32
        %rev3A_146 = vector.broadcast %rev3A_145 : i32 to vector<16xi32>
        %rev3A_147 = tpu.iota {dimensions = array<i32: 0>} : vector<16xi32>
        %rev3A_148 = arith.subi %rev3A_146, %rev3A_147 : vector<16xi32>
        %rev3A_149 = tpu.dynamic_gather %masked_sort3A_139[%rev3A_148] in [0] : vector<16xi32>, vector<16xi32> -> vector<16xi32>
        %lt3A = arith.cmpi slt, %while3A_115, %rev3A_144 : vector<16xi32>
        %eq3A_150 = arith.cmpi eq, %while3A_115, %rev3A_144 : vector<16xi32>
        %lt3A_151 = arith.cmpi slt, %while3A_116, %rev3A_149 : vector<16xi32>
        %and3A_152 = arith.andi %eq3A_150, %lt3A_151 : vector<16xi1>
        %or3A = arith.ori %lt3A, %and3A_152 : vector<16xi1>
        %select_n3A_153 = arith.select %or3A, %while3A_115, %rev3A_144 : vector<16xi1>, vector<16xi32>
        %select_n3A_154 = arith.select %or3A, %while3A_116, %rev3A_149 : vector<16xi1>, vector<16xi32>
        %select_n3A_155 = arith.select %or3A, %rev3A_144, %while3A_115 : vector<16xi1>, vector<16xi32>
        %select_n3A_156 = arith.select %or3A, %rev3A_149, %while3A_116 : vector<16xi1>, vector<16xi32>
        %masked_sort3A_157 = arith.constant dense<true> : vector<16xi1>
        %masked_sort3A_158 = arith.constant -2147483648 : i32
        %masked_sort3A_159 = vector.broadcast %masked_sort3A_158 : i32 to vector<16xi32>
        %masked_sort3A_160 = arith.xori %select_n3A_153, %masked_sort3A_159 : vector<16xi32>
        %masked_sort3A_161, %masked_sort3A_162, %masked_sort3A_163 = tpu.sort %masked_sort3A_160, %select_n3A_154 masked %masked_sort3A_157 : (vector<16xi32>, vector<16xi32>, vector<16xi1>) -> (vector<16xi1>, vector<16xi32>, vector<16xi32>)
        %masked_sort3A_164 = arith.xori %masked_sort3A_162, %masked_sort3A_159 : vector<16xi32>
        %masked_sort3A_165 = arith.constant dense<true> : vector<16xi1>
        %masked_sort3A_166 = arith.constant -2147483648 : i32
        %masked_sort3A_167 = vector.broadcast %masked_sort3A_166 : i32 to vector<16xi32>
        %masked_sort3A_168 = arith.xori %select_n3A_155, %masked_sort3A_167 : vector<16xi32>
        %masked_sort3A_169, %masked_sort3A_170, %masked_sort3A_171 = tpu.sort %masked_sort3A_168, %select_n3A_156 masked %masked_sort3A_165 : (vector<16xi32>, vector<16xi32>, vector<16xi1>) -> (vector<16xi1>, vector<16xi32>, vector<16xi32>)
        %masked_sort3A_172 = arith.xori %masked_sort3A_170, %masked_sort3A_167 : vector<16xi32>
        %rev3A_173 = arith.constant 15 : i32
        %rev3A_174 = vector.broadcast %rev3A_173 : i32 to vector<16xi32>
        %rev3A_175 = tpu.iota {dimensions = array<i32: 0>} : vector<16xi32>
        %rev3A_176 = arith.subi %rev3A_174, %rev3A_175 : vector<16xi32>
        %rev3A_177 = tpu.dynamic_gather %masked_sort3A_172[%rev3A_176] in [0] : vector<16xi32>, vector<16xi32> -> vector<16xi32>
        %rev3A_178 = arith.constant 15 : i32
        %rev3A_179 = vector.broadcast %rev3A_178 : i32 to vector<16xi32>
        %rev3A_180 = tpu.iota {dimensions = array<i32: 0>} : vector<16xi32>
        %rev3A_181 = arith.subi %rev3A_179, %rev3A_180 : vector<16xi32>
        %rev3A_182 = tpu.dynamic_gather %masked_sort3A_171[%rev3A_181] in [0] : vector<16xi32>, vector<16xi32> -> vector<16xi32>
        %lt3A_183 = arith.cmpi slt, %while3A_117, %rev3A_177 : vector<16xi32>
        %eq3A_184 = arith.cmpi eq, %while3A_117, %rev3A_177 : vector<16xi32>
        %lt3A_185 = arith.cmpi slt, %while3A_118, %rev3A_182 : vector<16xi32>
        %and3A_186 = arith.andi %eq3A_184, %lt3A_185 : vector<16xi1>
        %or3A_187 = arith.ori %lt3A_183, %and3A_186 : vector<16xi1>
        %select_n3A_188 = arith.select %or3A_187, %while3A_117, %rev3A_177 : vector<16xi1>, vector<16xi32>
        %select_n3A_189 = arith.select %or3A_187, %while3A_118, %rev3A_182 : vector<16xi1>, vector<16xi32>
        %masked_sort3A_190 = arith.constant dense<true> : vector<16xi1>
        %masked_sort3A_191 = arith.constant -2147483648 : i32
        %masked_sort3A_192 = vector.broadcast %masked_sort3A_191 : i32 to vector<16xi32>
        %masked_sort3A_193 = arith.xori %select_n3A_188, %masked_sort3A_192 : vector<16xi32>
        %masked_sort3A_194, %masked_sort3A_195, %masked_sort3A_196 = tpu.sort %masked_sort3A_193, %select_n3A_189 masked %masked_sort3A_190 : (vector<16xi32>, vector<16xi32>, vector<16xi1>) -> (vector<16xi1>, vector<16xi32>, vector<16xi32>)
        %masked_sort3A_197 = arith.xori %masked_sort3A_195, %masked_sort3A_192 : vector<16xi32>
        scf.yield %masked_sort3A_164, %masked_sort3A_163, %masked_sort3A_197, %masked_sort3A_196 : vector<16xi32>, vector<16xi32>, vector<16xi32>, vector<16xi32>
      }
      %swap3A = arith.constant 0 : index
      %swap3A_61 = tpu.vector_load %arg8[%swap3A] {strides = array<i32>} : memref<48xi32, #tpu.memory_space<vmem>>, vector<16xi32>,
      tpu.vector_store %arg8[%swap3A], %while3A_60#0 {strides = array<i32>} : memref<48xi32, #tpu.memory_space<vmem>>, vector<16xi32>,
      %swap3A_62 = arith.constant 16 : index
      %swap3A_63 = tpu.vector_load %arg8[%swap3A_62] {strides = array<i32>} : memref<48xi32, #tpu.memory_space<vmem>>, vector<16xi32>,
      tpu.vector_store %arg8[%swap3A_62], %while3A_60#2 {strides = array<i32>} : memref<48xi32, #tpu.memory_space<vmem>>, vector<16xi32>,
      %swap3A_64 = arith.constant 0 : index
      %swap3A_65 = tpu.vector_load %arg9[%swap3A_64] {strides = array<i32>} : memref<48xi32, #tpu.memory_space<vmem>>, vector<16xi32>,
      tpu.vector_store %arg9[%swap3A_64], %while3A_60#1 {strides = array<i32>} : memref<48xi32, #tpu.memory_space<vmem>>, vector<16xi32>,
      %swap3A_66 = arith.constant 16 : index
      %swap3A_67 = tpu.vector_load %arg9[%swap3A_66] {strides = array<i32>} : memref<48xi32, #tpu.memory_space<vmem>>, vector<16xi32>,
      tpu.vector_store %arg9[%swap3A_66], %while3A_60#3 {strides = array<i32>} : memref<48xi32, #tpu.memory_space<vmem>>, vector<16xi32>,
      %broadcast_in_dim3A_68 = arith.constant 2147483647 : i32
      %broadcast_in_dim3A_69 = vector.broadcast %broadcast_in_dim3A_68 : i32 to vector<16xi32>
      %swap3A_70 = arith.constant 32 : index
      %swap3A_71 = tpu.vector_load %arg8[%swap3A_70] {strides = array<i32>} : memref<48xi32, #tpu.memory_space<vmem>>, vector<16xi32>,
      tpu.vector_store %arg8[%swap3A_70], %broadcast_in_dim3A_69 {strides = array<i32>} : memref<48xi32, #tpu.memory_space<vmem>>, vector<16xi32>,
      %broadcast_in_dim3A_72 = arith.constant 2147483647 : i32
      %broadcast_in_dim3A_73 = vector.broadcast %broadcast_in_dim3A_72 : i32 to vector<16xi32>
      %swap3A_74 = arith.constant 32 : index
      %swap3A_75 = tpu.vector_load %arg9[%swap3A_74] {strides = array<i32>} : memref<48xi32, #tpu.memory_space<vmem>>, vector<16xi32>,
      tpu.vector_store %arg9[%swap3A_74], %broadcast_in_dim3A_73 {strides = array<i32>} : memref<48xi32, #tpu.memory_space<vmem>>, vector<16xi32>,
      %mul3A_76 = arith.constant 2 : i32
      %mul3A_77 = vector.broadcast %mul3A_76 : i32 to vector<16xi32>
      %mul3A_78 = arith.muli %mul3A_77, %iota3A : vector<16xi32>
      %add3A_79 = arith.constant 0 : i32
      %add3A_80 = vector.broadcast %add3A_79 : i32 to vector<16xi32>
      %add3A_81 = arith.addi %add3A_80, %mul3A_78 : vector<16xi32>
      %add3A_82 = arith.constant 1 : i32
      %add3A_83 = vector.broadcast %add3A_82 : i32 to vector<16xi32>
      %add3A_84 = arith.addi %add3A_81, %add3A_83 : vector<16xi32>
      %gather3A = tpu.vector_load_idx %arg8[%add3A_81] : memref<48xi32, #tpu.memory_space<vmem>>[vector<16xi32>], vector<16xi32>,
      %gather3A_85 = tpu.vector_load_idx %arg8[%add3A_84] : memref<48xi32, #tpu.memory_space<vmem>>[vector<16xi32>], vector<16xi32>,
      %gather3A_86 = tpu.vector_load_idx %arg9[%add3A_81] : memref<48xi32, #tpu.memory_space<vmem>>[vector<16xi32>], vector<16xi32>,
      %gather3A_87 = tpu.vector_load_idx %arg9[%add3A_84] : memref<48xi32, #tpu.memory_space<vmem>>[vector<16xi32>], vector<16xi32>,
      %eq3A = arith.cmpi eq, %gather3A, %gather3A_85 : vector<16xi32>
      %gt3A = arith.cmpi sgt, %gather3A_86, %gather3A_87 : vector<16xi32>
      %and3A = arith.andi %eq3A, %gt3A : vector<16xi1>
      %select_n3A = arith.select %and3A, %gather3A_87, %gather3A_86 : vector<16xi1>, vector<16xi32>
      %select_n3A_88 = arith.select %and3A, %gather3A_86, %gather3A_87 : vector<16xi1>, vector<16xi32>
      tpu.vector_store_idx %arg9[%add3A_81], %select_n3A : memref<48xi32, #tpu.memory_space<vmem>>[vector<16xi32>], vector<16xi32>,
      tpu.vector_store_idx %arg9[%add3A_84], %select_n3A_88 : memref<48xi32, #tpu.memory_space<vmem>>[vector<16xi32>], vector<16xi32>,
      %mul3A_89 = arith.constant 2 : i32
      %mul3A_90 = vector.broadcast %mul3A_89 : i32 to vector<16xi32>
      %mul3A_91 = arith.muli %mul3A_90, %iota3A : vector<16xi32>
      %add3A_92 = arith.constant 1 : i32
      %add3A_93 = vector.broadcast %add3A_92 : i32 to vector<16xi32>
      %add3A_94 = arith.addi %add3A_93, %mul3A_91 : vector<16xi32>
      %add3A_95 = arith.constant 1 : i32
      %add3A_96 = vector.broadcast %add3A_95 : i32 to vector<16xi32>
      %add3A_97 = arith.addi %add3A_94, %add3A_96 : vector<16xi32>
      %gather3A_98 = tpu.vector_load_idx %arg8[%add3A_94] : memref<48xi32, #tpu.memory_space<vmem>>[vector<16xi32>], vector<16xi32>,
      %gather3A_99 = tpu.vector_load_idx %arg8[%add3A_97] : memref<48xi32, #tpu.memory_space<vmem>>[vector<16xi32>], vector<16xi32>,
      %gather3A_100 = tpu.vector_load_idx %arg9[%add3A_94] : memref<48xi32, #tpu.memory_space<vmem>>[vector<16xi32>], vector<16xi32>,
      %gather3A_101 = tpu.vector_load_idx %arg9[%add3A_97] : memref<48xi32, #tpu.memory_space<vmem>>[vector<16xi32>], vector<16xi32>,
      %eq3A_102 = arith.cmpi eq, %gather3A_98, %gather3A_99 : vector<16xi32>
      %gt3A_103 = arith.cmpi sgt, %gather3A_100, %gather3A_101 : vector<16xi32>
      %and3A_104 = arith.andi %eq3A_102, %gt3A_103 : vector<16xi1>
      %select_n3A_105 = arith.select %and3A_104, %gather3A_101, %gather3A_100 : vector<16xi1>, vector<16xi32>
      %select_n3A_106 = arith.select %and3A_104, %gather3A_100, %gather3A_101 : vector<16xi1>, vector<16xi32>
      tpu.vector_store_idx %arg9[%add3A_94], %select_n3A_105 : memref<48xi32, #tpu.memory_space<vmem>>[vector<16xi32>], vector<16xi32>,
      tpu.vector_store_idx %arg9[%add3A_97], %select_n3A_106 : memref<48xi32, #tpu.memory_space<vmem>>[vector<16xi32>], vector<16xi32>,
      %get3A = arith.constant 0 : index
      %get3A_107 = tpu.vector_load %arg9[%get3A] {strides = array<i32>} : memref<48xi32, #tpu.memory_space<vmem>>, vector<16xi32>,
      %swap3A_108 = arith.constant 0 : index
      %swap3A_109 = tpu.vector_load %arg10[%swap3A_108] {strides = array<i32>} : memref<32xi32, #tpu.memory_space<vmem>>, vector<16xi32>,
      tpu.vector_store %arg10[%swap3A_108], %get3A_107 {strides = array<i32>} : memref<32xi32, #tpu.memory_space<vmem>>, vector<16xi32>,
      %get3A_110 = arith.constant 16 : index
      %get3A_111 = tpu.vector_load %arg9[%get3A_110] {strides = array<i32>} : memref<48xi32, #tpu.memory_space<vmem>>, vector<16xi32>,
      %swap3A_112 = arith.constant 16 : index
      %swap3A_113 = tpu.vector_load %arg10[%swap3A_112] {strides = array<i32>} : memref<32xi32, #tpu.memory_space<vmem>>, vector<16xi32>,
      tpu.vector_store %arg10[%swap3A_112], %get3A_111 {strides = array<i32>} : memref<32xi32, #tpu.memory_space<vmem>>, vector<16xi32>,
      "tpu.region"() ({
        %run_scoped3A = tpu.sem_alloc : memref<!tpu.dma_semaphore, #tpu.memory_space<semaphore_mem>>
        %dma_start3A = arith.constant 0 : i32
        %dma_start3A_114 = tpu.memref_slice %arg3[%add3A_9, %dma_start3A] : memref<4096x32xi32, #tpu.memory_space<hbm>> -> memref<1x32xi32, #tpu.memory_space<hbm>>
        %dma_start3A_115 = tpu.memref_squeeze %dma_start3A_114 : memref<1x32xi32, #tpu.memory_space<hbm>> -> memref<32xi32, #tpu.memory_space<hbm>>
        %dma_start3A_116 = arith.constant 0 : i32
        %dma_start3A_117 = tpu.memref_slice %arg3[%add3A_9, %dma_start3A_116] : memref<4096x32xi32, #tpu.memory_space<hbm>> -> memref<1x32xi32, #tpu.memory_space<hbm>>
        %dma_start3A_118 = tpu.memref_squeeze %dma_start3A_117 : memref<1x32xi32, #tpu.memory_space<hbm>> -> memref<32xi32, #tpu.memory_space<hbm>>
        tpu.enqueue_dma source(%arg10 : memref<32xi32, #tpu.memory_space<vmem>>) target(%dma_start3A_118 : memref<32xi32, #tpu.memory_space<hbm>>) target_semaphore(%run_scoped3A : memref<!tpu.dma_semaphore, #tpu.memory_space<semaphore_mem>>)
        %dma_wait3A = arith.constant 0 : i32
        %dma_wait3A_119 = tpu.memref_slice %arg3[%add3A_9, %dma_wait3A] : memref<4096x32xi32, #tpu.memory_space<hbm>> -> memref<1x32xi32, #tpu.memory_space<hbm>>
        %dma_wait3A_120 = tpu.memref_squeeze %dma_wait3A_119 : memref<1x32xi32, #tpu.memory_space<hbm>> -> memref<32xi32, #tpu.memory_space<hbm>>
        %dma_wait3A_121 = arith.constant 0 : i32
        %dma_wait3A_122 = tpu.memref_slice %arg3[%add3A_9, %dma_wait3A_121] : memref<4096x32xi32, #tpu.memory_space<hbm>> -> memref<1x32xi32, #tpu.memory_space<hbm>>
        %dma_wait3A_123 = tpu.memref_squeeze %dma_wait3A_122 : memref<1x32xi32, #tpu.memory_space<hbm>> -> memref<32xi32, #tpu.memory_space<hbm>>
        tpu.wait_dma2 semaphore(%run_scoped3A : memref<!tpu.dma_semaphore, #tpu.memory_space<semaphore_mem>>) src(%arg10 : memref<32xi32, #tpu.memory_space<vmem>>) dst(%dma_wait3A_123 : memref<32xi32, #tpu.memory_space<hbm>>)
        tpu.yield
      }) : () -> ()
    }
    %scan3A_5 = arith.constant 128 : i32
    return
  }
}

#map = affine_map<(d0, d1) -> (0, 0)>
module attributes {stable_mosaic.version = 14 : i64} {
  func.func @_gather_body(%arg0: i32, %arg1: i32, %arg2: memref<1024x4096xf32, #tpu.memory_space<hbm>>, %arg3: memref<24x4096xf32, #tpu.memory_space<hbm>>, %arg4: memref<8x16384xi32, #tpu.memory_space<hbm>>, %arg5: memref<8x512xi32, #tpu.memory_space<hbm>>, %arg6: memref<24x512xf32, #tpu.memory_space<hbm>>, %arg7: memref<1024x16384xf32, #tpu.memory_space<hbm>>, %arg8: memref<1024x512xf32, #tpu.memory_space<hbm>>, %arg9: memref<24x16384xf32, #tpu.memory_space<hbm>>, %arg10: memref<4096xf32, #tpu.memory_space<vmem>>, %arg11: memref<16384xi32, #tpu.memory_space<vmem>>, %arg12: memref<512xi32, #tpu.memory_space<vmem>>, %arg13: memref<512xf32, #tpu.memory_space<vmem>>, %arg14: memref<16384xf32, #tpu.memory_space<vmem>>, %arg15: memref<512xf32, #tpu.memory_space<vmem>>) attributes {dimension_semantics = [#tpu.dimension_semantics<core_parallel>, #tpu.dimension_semantics<subcore_parallel>], iteration_bounds = array<i64: 2, 16>, scalar_prefetch = 0 : i64, scratch_operands = 6 : i64, tpu.core_type = #tpu.core_type<sc_vector_subcore>, window_params = [{transform_indices = #map}, {transform_indices = #map}, {transform_indices = #map}, {transform_indices = #map}, {transform_indices = #map}, {transform_indices = #map}, {transform_indices = #map}, {transform_indices = #map}]} {
    %mul3A = arith.constant 2 : i32
    %mul3A_0 = arith.muli %arg1, %mul3A : i32
    %add3A = arith.addi %mul3A_0, %arg0 : i32
    %iota3A = tpu.iota {dimensions = array<i32: 0>} : vector<16xi32>
    %scan3A = arith.constant 0 : i32
    %scan3A_1 = arith.constant 0 : i32
    %scan3A_2 = arith.constant 8 : i32
    %scan3A_3 = arith.addi %scan3A_1, %scan3A_2 : i32
    %scan3A_4 = arith.constant 1 : i32
    scf.for %scan3A_8 = %scan3A_1 to %scan3A_3 step %scan3A_4  : i32 {
      "tpu.region"() ({
        %run_scoped3A = tpu.sem_alloc : memref<!tpu.dma_semaphore, #tpu.memory_space<semaphore_mem>>
        %dma_start3A = arith.constant 0 : i32
        %dma_start3A_15 = tpu.memref_slice %arg4[%scan3A_8, %dma_start3A] : memref<8x16384xi32, #tpu.memory_space<hbm>> -> memref<1x16384xi32, #tpu.memory_space<hbm>>
        %dma_start3A_16 = tpu.memref_squeeze %dma_start3A_15 : memref<1x16384xi32, #tpu.memory_space<hbm>> -> memref<16384xi32, #tpu.memory_space<hbm>>
        %dma_start3A_17 = arith.constant 0 : i32
        %dma_start3A_18 = tpu.memref_slice %arg4[%scan3A_8, %dma_start3A_17] : memref<8x16384xi32, #tpu.memory_space<hbm>> -> memref<1x16384xi32, #tpu.memory_space<hbm>>
        %dma_start3A_19 = tpu.memref_squeeze %dma_start3A_18 : memref<1x16384xi32, #tpu.memory_space<hbm>> -> memref<16384xi32, #tpu.memory_space<hbm>>
        tpu.enqueue_dma source(%dma_start3A_19 : memref<16384xi32, #tpu.memory_space<hbm>>) target(%arg11 : memref<16384xi32, #tpu.memory_space<vmem>>) target_semaphore(%run_scoped3A : memref<!tpu.dma_semaphore, #tpu.memory_space<semaphore_mem>>)
        %dma_wait3A = arith.constant 0 : i32
        %dma_wait3A_20 = tpu.memref_slice %arg4[%scan3A_8, %dma_wait3A] : memref<8x16384xi32, #tpu.memory_space<hbm>> -> memref<1x16384xi32, #tpu.memory_space<hbm>>
        %dma_wait3A_21 = tpu.memref_squeeze %dma_wait3A_20 : memref<1x16384xi32, #tpu.memory_space<hbm>> -> memref<16384xi32, #tpu.memory_space<hbm>>
        %dma_wait3A_22 = arith.constant 0 : i32
        %dma_wait3A_23 = tpu.memref_slice %arg4[%scan3A_8, %dma_wait3A_22] : memref<8x16384xi32, #tpu.memory_space<hbm>> -> memref<1x16384xi32, #tpu.memory_space<hbm>>
        %dma_wait3A_24 = tpu.memref_squeeze %dma_wait3A_23 : memref<1x16384xi32, #tpu.memory_space<hbm>> -> memref<16384xi32, #tpu.memory_space<hbm>>
        tpu.wait_dma2 semaphore(%run_scoped3A : memref<!tpu.dma_semaphore, #tpu.memory_space<semaphore_mem>>) src(%dma_wait3A_24 : memref<16384xi32, #tpu.memory_space<hbm>>) dst(%arg11 : memref<16384xi32, #tpu.memory_space<vmem>>)
        tpu.yield
      }) : () -> ()
      "tpu.region"() ({
        %run_scoped3A = tpu.sem_alloc : memref<!tpu.dma_semaphore, #tpu.memory_space<semaphore_mem>>
        %dma_start3A = arith.constant 0 : i32
        %dma_start3A_15 = tpu.memref_slice %arg5[%scan3A_8, %dma_start3A] : memref<8x512xi32, #tpu.memory_space<hbm>> -> memref<1x512xi32, #tpu.memory_space<hbm>>
        %dma_start3A_16 = tpu.memref_squeeze %dma_start3A_15 : memref<1x512xi32, #tpu.memory_space<hbm>> -> memref<512xi32, #tpu.memory_space<hbm>>
        %dma_start3A_17 = arith.constant 0 : i32
        %dma_start3A_18 = tpu.memref_slice %arg5[%scan3A_8, %dma_start3A_17] : memref<8x512xi32, #tpu.memory_space<hbm>> -> memref<1x512xi32, #tpu.memory_space<hbm>>
        %dma_start3A_19 = tpu.memref_squeeze %dma_start3A_18 : memref<1x512xi32, #tpu.memory_space<hbm>> -> memref<512xi32, #tpu.memory_space<hbm>>
        tpu.enqueue_dma source(%dma_start3A_19 : memref<512xi32, #tpu.memory_space<hbm>>) target(%arg12 : memref<512xi32, #tpu.memory_space<vmem>>) target_semaphore(%run_scoped3A : memref<!tpu.dma_semaphore, #tpu.memory_space<semaphore_mem>>)
        %dma_wait3A = arith.constant 0 : i32
        %dma_wait3A_20 = tpu.memref_slice %arg5[%scan3A_8, %dma_wait3A] : memref<8x512xi32, #tpu.memory_space<hbm>> -> memref<1x512xi32, #tpu.memory_space<hbm>>
        %dma_wait3A_21 = tpu.memref_squeeze %dma_wait3A_20 : memref<1x512xi32, #tpu.memory_space<hbm>> -> memref<512xi32, #tpu.memory_space<hbm>>
        %dma_wait3A_22 = arith.constant 0 : i32
        %dma_wait3A_23 = tpu.memref_slice %arg5[%scan3A_8, %dma_wait3A_22] : memref<8x512xi32, #tpu.memory_space<hbm>> -> memref<1x512xi32, #tpu.memory_space<hbm>>
        %dma_wait3A_24 = tpu.memref_squeeze %dma_wait3A_23 : memref<1x512xi32, #tpu.memory_space<hbm>> -> memref<512xi32, #tpu.memory_space<hbm>>
        tpu.wait_dma2 semaphore(%run_scoped3A : memref<!tpu.dma_semaphore, #tpu.memory_space<semaphore_mem>>) src(%dma_wait3A_24 : memref<512xi32, #tpu.memory_space<hbm>>) dst(%arg12 : memref<512xi32, #tpu.memory_space<vmem>>)
        tpu.yield
      }) : () -> ()
      %scan3A_9 = arith.constant 0 : i32
      %scan3A_10 = arith.constant 0 : i32
      %scan3A_11 = arith.constant 4 : i32
      %scan3A_12 = arith.addi %scan3A_10, %scan3A_11 : i32
      %scan3A_13 = arith.constant 1 : i32
      scf.for %scan3A_15 = %scan3A_10 to %scan3A_12 step %scan3A_13  : i32 {
        %mul3A_16 = arith.constant 4 : i32
        %mul3A_17 = arith.muli %add3A, %mul3A_16 : i32
        %add3A_18 = arith.addi %mul3A_17, %scan3A_15 : i32
        %mul3A_19 = arith.constant 128 : i32
        %mul3A_20 = arith.muli %scan3A_8, %mul3A_19 : i32
        %add3A_21 = arith.addi %mul3A_20, %add3A_18 : i32
        "tpu.region"() ({
          %run_scoped3A = tpu.sem_alloc : memref<!tpu.dma_semaphore, #tpu.memory_space<semaphore_mem>>
          %dma_start3A = arith.constant 0 : i32
          %dma_start3A_34 = tpu.memref_slice %arg2[%add3A_21, %dma_start3A] : memref<1024x4096xf32, #tpu.memory_space<hbm>> -> memref<1x4096xf32, #tpu.memory_space<hbm>>
          %dma_start3A_35 = tpu.memref_squeeze %dma_start3A_34 : memref<1x4096xf32, #tpu.memory_space<hbm>> -> memref<4096xf32, #tpu.memory_space<hbm>>
          %dma_start3A_36 = arith.constant 0 : i32
          %dma_start3A_37 = tpu.memref_slice %arg2[%add3A_21, %dma_start3A_36] : memref<1024x4096xf32, #tpu.memory_space<hbm>> -> memref<1x4096xf32, #tpu.memory_space<hbm>>
          %dma_start3A_38 = tpu.memref_squeeze %dma_start3A_37 : memref<1x4096xf32, #tpu.memory_space<hbm>> -> memref<4096xf32, #tpu.memory_space<hbm>>
          tpu.enqueue_dma source(%dma_start3A_38 : memref<4096xf32, #tpu.memory_space<hbm>>) target(%arg10 : memref<4096xf32, #tpu.memory_space<vmem>>) target_semaphore(%run_scoped3A : memref<!tpu.dma_semaphore, #tpu.memory_space<semaphore_mem>>)
          %dma_wait3A = arith.constant 0 : i32
          %dma_wait3A_39 = tpu.memref_slice %arg2[%add3A_21, %dma_wait3A] : memref<1024x4096xf32, #tpu.memory_space<hbm>> -> memref<1x4096xf32, #tpu.memory_space<hbm>>
          %dma_wait3A_40 = tpu.memref_squeeze %dma_wait3A_39 : memref<1x4096xf32, #tpu.memory_space<hbm>> -> memref<4096xf32, #tpu.memory_space<hbm>>
          %dma_wait3A_41 = arith.constant 0 : i32
          %dma_wait3A_42 = tpu.memref_slice %arg2[%add3A_21, %dma_wait3A_41] : memref<1024x4096xf32, #tpu.memory_space<hbm>> -> memref<1x4096xf32, #tpu.memory_space<hbm>>
          %dma_wait3A_43 = tpu.memref_squeeze %dma_wait3A_42 : memref<1x4096xf32, #tpu.memory_space<hbm>> -> memref<4096xf32, #tpu.memory_space<hbm>>
          tpu.wait_dma2 semaphore(%run_scoped3A : memref<!tpu.dma_semaphore, #tpu.memory_space<semaphore_mem>>) src(%dma_wait3A_43 : memref<4096xf32, #tpu.memory_space<hbm>>) dst(%arg10 : memref<4096xf32, #tpu.memory_space<vmem>>)
          tpu.yield
        }) : () -> ()
        %scan3A_22 = arith.constant 0 : i32
        %scan3A_23 = arith.constant 0 : i32
        %scan3A_24 = arith.constant 1024 : i32
        %scan3A_25 = arith.addi %scan3A_23, %scan3A_24 : i32
        %scan3A_26 = arith.constant 1 : i32
        scf.for %scan3A_34 = %scan3A_23 to %scan3A_25 step %scan3A_26  : i32 {
          %mul3A_35 = arith.constant 16 : i32
          %mul3A_36 = arith.muli %scan3A_34, %mul3A_35 : i32
          %get3A = arith.index_cast %mul3A_36 : i32 to index
          %get3A_37 = tpu.vector_load %arg11[%get3A] {strides = array<i32>} : memref<16384xi32, #tpu.memory_space<vmem>>, vector<16xi32>,
          %gather3A = tpu.vector_load_idx %arg10[%get3A_37] : memref<4096xf32, #tpu.memory_space<vmem>>[vector<16xi32>], vector<16xf32>,
          %mul3A_38 = arith.constant 16 : i32
          %mul3A_39 = arith.muli %scan3A_34, %mul3A_38 : i32
          %swap3A = arith.index_cast %mul3A_39 : i32 to index
          %swap3A_40 = tpu.vector_load %arg14[%swap3A] {strides = array<i32>} : memref<16384xf32, #tpu.memory_space<vmem>>, vector<16xf32>,
          tpu.vector_store %arg14[%swap3A], %gather3A {strides = array<i32>} : memref<16384xf32, #tpu.memory_space<vmem>>, vector<16xf32>,
        }
        %scan3A_27 = arith.constant 1024 : i32
        %scan3A_28 = arith.constant 0 : i32
        %scan3A_29 = arith.constant 0 : i32
        %scan3A_30 = arith.constant 32 : i32
        %scan3A_31 = arith.addi %scan3A_29, %scan3A_30 : i32
        %scan3A_32 = arith.constant 1 : i32
        scf.for %scan3A_34 = %scan3A_29 to %scan3A_31 step %scan3A_32  : i32 {
          %mul3A_35 = arith.constant 16 : i32
          %mul3A_36 = arith.muli %scan3A_34, %mul3A_35 : i32
          %get3A = arith.index_cast %mul3A_36 : i32 to index
          %get3A_37 = tpu.vector_load %arg12[%get3A] {strides = array<i32>} : memref<512xi32, #tpu.memory_space<vmem>>, vector<16xi32>,
          %gather3A = tpu.vector_load_idx %arg10[%get3A_37] : memref<4096xf32, #tpu.memory_space<vmem>>[vector<16xi32>], vector<16xf32>,
          %mul3A_38 = arith.constant 16 : i32
          %mul3A_39 = arith.muli %scan3A_34, %mul3A_38 : i32
          %swap3A = arith.index_cast %mul3A_39 : i32 to index
          %swap3A_40 = tpu.vector_load %arg15[%swap3A] {strides = array<i32>} : memref<512xf32, #tpu.memory_space<vmem>>, vector<16xf32>,
          tpu.vector_store %arg15[%swap3A], %gather3A {strides = array<i32>} : memref<512xf32, #tpu.memory_space<vmem>>, vector<16xf32>,
        }
        %scan3A_33 = arith.constant 32 : i32
        "tpu.region"() ({
          %run_scoped3A = tpu.sem_alloc : memref<!tpu.dma_semaphore, #tpu.memory_space<semaphore_mem>>
          %dma_start3A = arith.constant 0 : i32
          %dma_start3A_34 = tpu.memref_slice %arg7[%add3A_21, %dma_start3A] : memref<1024x16384xf32, #tpu.memory_space<hbm>> -> memref<1x16384xf32, #tpu.memory_space<hbm>>
          %dma_start3A_35 = tpu.memref_squeeze %dma_start3A_34 : memref<1x16384xf32, #tpu.memory_space<hbm>> -> memref<16384xf32, #tpu.memory_space<hbm>>
          %dma_start3A_36 = arith.constant 0 : i32
          %dma_start3A_37 = tpu.memref_slice %arg7[%add3A_21, %dma_start3A_36] : memref<1024x16384xf32, #tpu.memory_space<hbm>> -> memref<1x16384xf32, #tpu.memory_space<hbm>>
          %dma_start3A_38 = tpu.memref_squeeze %dma_start3A_37 : memref<1x16384xf32, #tpu.memory_space<hbm>> -> memref<16384xf32, #tpu.memory_space<hbm>>
          tpu.enqueue_dma source(%arg14 : memref<16384xf32, #tpu.memory_space<vmem>>) target(%dma_start3A_38 : memref<16384xf32, #tpu.memory_space<hbm>>) target_semaphore(%run_scoped3A : memref<!tpu.dma_semaphore, #tpu.memory_space<semaphore_mem>>)
          %dma_wait3A = arith.constant 0 : i32
          %dma_wait3A_39 = tpu.memref_slice %arg7[%add3A_21, %dma_wait3A] : memref<1024x16384xf32, #tpu.memory_space<hbm>> -> memref<1x16384xf32, #tpu.memory_space<hbm>>
          %dma_wait3A_40 = tpu.memref_squeeze %dma_wait3A_39 : memref<1x16384xf32, #tpu.memory_space<hbm>> -> memref<16384xf32, #tpu.memory_space<hbm>>
          %dma_wait3A_41 = arith.constant 0 : i32
          %dma_wait3A_42 = tpu.memref_slice %arg7[%add3A_21, %dma_wait3A_41] : memref<1024x16384xf32, #tpu.memory_space<hbm>> -> memref<1x16384xf32, #tpu.memory_space<hbm>>
          %dma_wait3A_43 = tpu.memref_squeeze %dma_wait3A_42 : memref<1x16384xf32, #tpu.memory_space<hbm>> -> memref<16384xf32, #tpu.memory_space<hbm>>
          tpu.wait_dma2 semaphore(%run_scoped3A : memref<!tpu.dma_semaphore, #tpu.memory_space<semaphore_mem>>) src(%arg14 : memref<16384xf32, #tpu.memory_space<vmem>>) dst(%dma_wait3A_43 : memref<16384xf32, #tpu.memory_space<hbm>>)
          tpu.yield
        }) : () -> ()
        "tpu.region"() ({
          %run_scoped3A = tpu.sem_alloc : memref<!tpu.dma_semaphore, #tpu.memory_space<semaphore_mem>>
          %dma_start3A = arith.constant 0 : i32
          %dma_start3A_34 = tpu.memref_slice %arg8[%add3A_21, %dma_start3A] : memref<1024x512xf32, #tpu.memory_space<hbm>> -> memref<1x512xf32, #tpu.memory_space<hbm>>
          %dma_start3A_35 = tpu.memref_squeeze %dma_start3A_34 : memref<1x512xf32, #tpu.memory_space<hbm>> -> memref<512xf32, #tpu.memory_space<hbm>>
          %dma_start3A_36 = arith.constant 0 : i32
          %dma_start3A_37 = tpu.memref_slice %arg8[%add3A_21, %dma_start3A_36] : memref<1024x512xf32, #tpu.memory_space<hbm>> -> memref<1x512xf32, #tpu.memory_space<hbm>>
          %dma_start3A_38 = tpu.memref_squeeze %dma_start3A_37 : memref<1x512xf32, #tpu.memory_space<hbm>> -> memref<512xf32, #tpu.memory_space<hbm>>
          tpu.enqueue_dma source(%arg15 : memref<512xf32, #tpu.memory_space<vmem>>) target(%dma_start3A_38 : memref<512xf32, #tpu.memory_space<hbm>>) target_semaphore(%run_scoped3A : memref<!tpu.dma_semaphore, #tpu.memory_space<semaphore_mem>>)
          %dma_wait3A = arith.constant 0 : i32
          %dma_wait3A_39 = tpu.memref_slice %arg8[%add3A_21, %dma_wait3A] : memref<1024x512xf32, #tpu.memory_space<hbm>> -> memref<1x512xf32, #tpu.memory_space<hbm>>
          %dma_wait3A_40 = tpu.memref_squeeze %dma_wait3A_39 : memref<1x512xf32, #tpu.memory_space<hbm>> -> memref<512xf32, #tpu.memory_space<hbm>>
          %dma_wait3A_41 = arith.constant 0 : i32
          %dma_wait3A_42 = tpu.memref_slice %arg8[%add3A_21, %dma_wait3A_41] : memref<1024x512xf32, #tpu.memory_space<hbm>> -> memref<1x512xf32, #tpu.memory_space<hbm>>
          %dma_wait3A_43 = tpu.memref_squeeze %dma_wait3A_42 : memref<1x512xf32, #tpu.memory_space<hbm>> -> memref<512xf32, #tpu.memory_space<hbm>>
          tpu.wait_dma2 semaphore(%run_scoped3A : memref<!tpu.dma_semaphore, #tpu.memory_space<semaphore_mem>>) src(%arg15 : memref<512xf32, #tpu.memory_space<vmem>>) dst(%dma_wait3A_43 : memref<512xf32, #tpu.memory_space<hbm>>)
          tpu.yield
        }) : () -> ()
      }
      %scan3A_14 = arith.constant 4 : i32
    }
    %scan3A_5 = arith.constant 8 : i32
    %lt3A = arith.constant 24 : i32
    %lt3A_6 = arith.cmpi slt, %add3A, %lt3A : i32
    %convert_element_type3A = arith.extui %lt3A_6 : i1 to i32
    %cond3A = arith.constant 0 : i32
    %cond3A_7 = arith.cmpi ne, %convert_element_type3A, %cond3A : i32
    scf.if %cond3A_7 {
      %jit3A = arith.constant 3 : i32
      %div3A = arith.divsi %add3A, %jit3A : i32
      %sign3A = arith.constant 0 : i32
      %sign3A_8 = arith.cmpi sgt, %add3A, %sign3A : i32
      %sign3A_9 = arith.extui %sign3A_8 : i1 to i32
      %sign3A_10 = arith.constant 0 : i32
      %sign3A_11 = arith.cmpi slt, %add3A, %sign3A_10 : i32
      %sign3A_12 = arith.extui %sign3A_11 : i1 to i32
      %sign3A_13 = arith.subi %sign3A_9, %sign3A_12 : i32
      %sign3A_14 = arith.constant 0 : i32
      %sign3A_15 = arith.cmpi sgt, %jit3A, %sign3A_14 : i32
      %sign3A_16 = arith.extui %sign3A_15 : i1 to i32
      %sign3A_17 = arith.constant 0 : i32
      %sign3A_18 = arith.cmpi slt, %jit3A, %sign3A_17 : i32
      %sign3A_19 = arith.extui %sign3A_18 : i1 to i32
      %sign3A_20 = arith.subi %sign3A_16, %sign3A_19 : i32
      %ne3A = arith.cmpi ne, %sign3A_13, %sign3A_20 : i32
      %rem3A = arith.remsi %add3A, %jit3A : i32
      %ne3A_21 = arith.constant 0 : i32
      %ne3A_22 = arith.cmpi ne, %rem3A, %ne3A_21 : i32
      %and3A = arith.andi %ne3A, %ne3A_22 : i1
      %sub3A = arith.constant 1 : i32
      %sub3A_23 = arith.subi %div3A, %sub3A : i32
      %select_n3A = arith.select %and3A, %sub3A_23, %div3A : i32
      "tpu.region"() ({
        %run_scoped3A = tpu.sem_alloc : memref<!tpu.dma_semaphore, #tpu.memory_space<semaphore_mem>>
        %dma_start3A = arith.constant 0 : i32
        %dma_start3A_30 = tpu.memref_slice %arg4[%select_n3A, %dma_start3A] : memref<8x16384xi32, #tpu.memory_space<hbm>> -> memref<1x16384xi32, #tpu.memory_space<hbm>>
        %dma_start3A_31 = tpu.memref_squeeze %dma_start3A_30 : memref<1x16384xi32, #tpu.memory_space<hbm>> -> memref<16384xi32, #tpu.memory_space<hbm>>
        %dma_start3A_32 = arith.constant 0 : i32
        %dma_start3A_33 = tpu.memref_slice %arg4[%select_n3A, %dma_start3A_32] : memref<8x16384xi32, #tpu.memory_space<hbm>> -> memref<1x16384xi32, #tpu.memory_space<hbm>>
        %dma_start3A_34 = tpu.memref_squeeze %dma_start3A_33 : memref<1x16384xi32, #tpu.memory_space<hbm>> -> memref<16384xi32, #tpu.memory_space<hbm>>
        tpu.enqueue_dma source(%dma_start3A_34 : memref<16384xi32, #tpu.memory_space<hbm>>) target(%arg11 : memref<16384xi32, #tpu.memory_space<vmem>>) target_semaphore(%run_scoped3A : memref<!tpu.dma_semaphore, #tpu.memory_space<semaphore_mem>>)
        %dma_wait3A = arith.constant 0 : i32
        %dma_wait3A_35 = tpu.memref_slice %arg4[%select_n3A, %dma_wait3A] : memref<8x16384xi32, #tpu.memory_space<hbm>> -> memref<1x16384xi32, #tpu.memory_space<hbm>>
        %dma_wait3A_36 = tpu.memref_squeeze %dma_wait3A_35 : memref<1x16384xi32, #tpu.memory_space<hbm>> -> memref<16384xi32, #tpu.memory_space<hbm>>
        %dma_wait3A_37 = arith.constant 0 : i32
        %dma_wait3A_38 = tpu.memref_slice %arg4[%select_n3A, %dma_wait3A_37] : memref<8x16384xi32, #tpu.memory_space<hbm>> -> memref<1x16384xi32, #tpu.memory_space<hbm>>
        %dma_wait3A_39 = tpu.memref_squeeze %dma_wait3A_38 : memref<1x16384xi32, #tpu.memory_space<hbm>> -> memref<16384xi32, #tpu.memory_space<hbm>>
        tpu.wait_dma2 semaphore(%run_scoped3A : memref<!tpu.dma_semaphore, #tpu.memory_space<semaphore_mem>>) src(%dma_wait3A_39 : memref<16384xi32, #tpu.memory_space<hbm>>) dst(%arg11 : memref<16384xi32, #tpu.memory_space<vmem>>)
        tpu.yield
      }) : () -> ()
      "tpu.region"() ({
        %run_scoped3A = tpu.sem_alloc : memref<!tpu.dma_semaphore, #tpu.memory_space<semaphore_mem>>
        %dma_start3A = arith.constant 0 : i32
        %dma_start3A_30 = tpu.memref_slice %arg3[%add3A, %dma_start3A] : memref<24x4096xf32, #tpu.memory_space<hbm>> -> memref<1x4096xf32, #tpu.memory_space<hbm>>
        %dma_start3A_31 = tpu.memref_squeeze %dma_start3A_30 : memref<1x4096xf32, #tpu.memory_space<hbm>> -> memref<4096xf32, #tpu.memory_space<hbm>>
        %dma_start3A_32 = arith.constant 0 : i32
        %dma_start3A_33 = tpu.memref_slice %arg3[%add3A, %dma_start3A_32] : memref<24x4096xf32, #tpu.memory_space<hbm>> -> memref<1x4096xf32, #tpu.memory_space<hbm>>
        %dma_start3A_34 = tpu.memref_squeeze %dma_start3A_33 : memref<1x4096xf32, #tpu.memory_space<hbm>> -> memref<4096xf32, #tpu.memory_space<hbm>>
        tpu.enqueue_dma source(%dma_start3A_34 : memref<4096xf32, #tpu.memory_space<hbm>>) target(%arg10 : memref<4096xf32, #tpu.memory_space<vmem>>) target_semaphore(%run_scoped3A : memref<!tpu.dma_semaphore, #tpu.memory_space<semaphore_mem>>)
        %dma_wait3A = arith.constant 0 : i32
        %dma_wait3A_35 = tpu.memref_slice %arg3[%add3A, %dma_wait3A] : memref<24x4096xf32, #tpu.memory_space<hbm>> -> memref<1x4096xf32, #tpu.memory_space<hbm>>
        %dma_wait3A_36 = tpu.memref_squeeze %dma_wait3A_35 : memref<1x4096xf32, #tpu.memory_space<hbm>> -> memref<4096xf32, #tpu.memory_space<hbm>>
        %dma_wait3A_37 = arith.constant 0 : i32
        %dma_wait3A_38 = tpu.memref_slice %arg3[%add3A, %dma_wait3A_37] : memref<24x4096xf32, #tpu.memory_space<hbm>> -> memref<1x4096xf32, #tpu.memory_space<hbm>>
        %dma_wait3A_39 = tpu.memref_squeeze %dma_wait3A_38 : memref<1x4096xf32, #tpu.memory_space<hbm>> -> memref<4096xf32, #tpu.memory_space<hbm>>
        tpu.wait_dma2 semaphore(%run_scoped3A : memref<!tpu.dma_semaphore, #tpu.memory_space<semaphore_mem>>) src(%dma_wait3A_39 : memref<4096xf32, #tpu.memory_space<hbm>>) dst(%arg10 : memref<4096xf32, #tpu.memory_space<vmem>>)
        tpu.yield
      }) : () -> ()
      "tpu.region"() ({
        %run_scoped3A = tpu.sem_alloc : memref<!tpu.dma_semaphore, #tpu.memory_space<semaphore_mem>>
        %dma_start3A = arith.constant 0 : i32
        %dma_start3A_30 = tpu.memref_slice %arg6[%add3A, %dma_start3A] : memref<24x512xf32, #tpu.memory_space<hbm>> -> memref<1x512xf32, #tpu.memory_space<hbm>>
        %dma_start3A_31 = tpu.memref_squeeze %dma_start3A_30 : memref<1x512xf32, #tpu.memory_space<hbm>> -> memref<512xf32, #tpu.memory_space<hbm>>
        %dma_start3A_32 = arith.constant 0 : i32
        %dma_start3A_33 = tpu.memref_slice %arg6[%add3A, %dma_start3A_32] : memref<24x512xf32, #tpu.memory_space<hbm>> -> memref<1x512xf32, #tpu.memory_space<hbm>>
        %dma_start3A_34 = tpu.memref_squeeze %dma_start3A_33 : memref<1x512xf32, #tpu.memory_space<hbm>> -> memref<512xf32, #tpu.memory_space<hbm>>
        tpu.enqueue_dma source(%dma_start3A_34 : memref<512xf32, #tpu.memory_space<hbm>>) target(%arg13 : memref<512xf32, #tpu.memory_space<vmem>>) target_semaphore(%run_scoped3A : memref<!tpu.dma_semaphore, #tpu.memory_space<semaphore_mem>>)
        %dma_wait3A = arith.constant 0 : i32
        %dma_wait3A_35 = tpu.memref_slice %arg6[%add3A, %dma_wait3A] : memref<24x512xf32, #tpu.memory_space<hbm>> -> memref<1x512xf32, #tpu.memory_space<hbm>>
        %dma_wait3A_36 = tpu.memref_squeeze %dma_wait3A_35 : memref<1x512xf32, #tpu.memory_space<hbm>> -> memref<512xf32, #tpu.memory_space<hbm>>
        %dma_wait3A_37 = arith.constant 0 : i32
        %dma_wait3A_38 = tpu.memref_slice %arg6[%add3A, %dma_wait3A_37] : memref<24x512xf32, #tpu.memory_space<hbm>> -> memref<1x512xf32, #tpu.memory_space<hbm>>
        %dma_wait3A_39 = tpu.memref_squeeze %dma_wait3A_38 : memref<1x512xf32, #tpu.memory_space<hbm>> -> memref<512xf32, #tpu.memory_space<hbm>>
        tpu.wait_dma2 semaphore(%run_scoped3A : memref<!tpu.dma_semaphore, #tpu.memory_space<semaphore_mem>>) src(%dma_wait3A_39 : memref<512xf32, #tpu.memory_space<hbm>>) dst(%arg13 : memref<512xf32, #tpu.memory_space<vmem>>)
        tpu.yield
      }) : () -> ()
      %scan3A_24 = arith.constant 0 : i32
      %scan3A_25 = arith.constant 0 : i32
      %scan3A_26 = arith.constant 1024 : i32
      %scan3A_27 = arith.addi %scan3A_25, %scan3A_26 : i32
      %scan3A_28 = arith.constant 1 : i32
      scf.for %scan3A_30 = %scan3A_25 to %scan3A_27 step %scan3A_28  : i32 {
        %mul3A_31 = arith.constant 16 : i32
        %mul3A_32 = arith.muli %scan3A_30, %mul3A_31 : i32
        %get3A = arith.index_cast %mul3A_32 : i32 to index
        %get3A_33 = tpu.vector_load %arg11[%get3A] {strides = array<i32>} : memref<16384xi32, #tpu.memory_space<vmem>>, vector<16xi32>,
        %gather3A = tpu.vector_load_idx %arg10[%get3A_33] : memref<4096xf32, #tpu.memory_space<vmem>>[vector<16xi32>], vector<16xf32>,
        %mul3A_34 = arith.constant 16 : i32
        %mul3A_35 = arith.muli %scan3A_30, %mul3A_34 : i32
        %add3A_36 = vector.broadcast %mul3A_35 : i32 to vector<16xi32>
        %add3A_37 = arith.addi %add3A_36, %iota3A : vector<16xi32>
        %shift_right_arithmetic3A = arith.constant 5 : i32
        %shift_right_arithmetic3A_38 = vector.broadcast %shift_right_arithmetic3A : i32 to vector<16xi32>
        %shift_right_arithmetic3A_39 = arith.shrsi %add3A_37, %shift_right_arithmetic3A_38 : vector<16xi32>
        %gather3A_40 = tpu.vector_load_idx %arg13[%shift_right_arithmetic3A_39] : memref<512xf32, #tpu.memory_space<vmem>>[vector<16xi32>], vector<16xf32>,
        %sub3A_41 = arith.subf %gather3A, %gather3A_40 : vector<16xf32>
        %mul3A_42 = arith.constant 16 : i32
        %mul3A_43 = arith.muli %scan3A_30, %mul3A_42 : i32
        %swap3A = arith.index_cast %mul3A_43 : i32 to index
        %swap3A_44 = tpu.vector_load %arg14[%swap3A] {strides = array<i32>} : memref<16384xf32, #tpu.memory_space<vmem>>, vector<16xf32>,
        tpu.vector_store %arg14[%swap3A], %sub3A_41 {strides = array<i32>} : memref<16384xf32, #tpu.memory_space<vmem>>, vector<16xf32>,
      }
      %scan3A_29 = arith.constant 1024 : i32
      "tpu.region"() ({
        %run_scoped3A = tpu.sem_alloc : memref<!tpu.dma_semaphore, #tpu.memory_space<semaphore_mem>>
        %dma_start3A = arith.constant 0 : i32
        %dma_start3A_30 = tpu.memref_slice %arg9[%add3A, %dma_start3A] : memref<24x16384xf32, #tpu.memory_space<hbm>> -> memref<1x16384xf32, #tpu.memory_space<hbm>>
        %dma_start3A_31 = tpu.memref_squeeze %dma_start3A_30 : memref<1x16384xf32, #tpu.memory_space<hbm>> -> memref<16384xf32, #tpu.memory_space<hbm>>
        %dma_start3A_32 = arith.constant 0 : i32
        %dma_start3A_33 = tpu.memref_slice %arg9[%add3A, %dma_start3A_32] : memref<24x16384xf32, #tpu.memory_space<hbm>> -> memref<1x16384xf32, #tpu.memory_space<hbm>>
        %dma_start3A_34 = tpu.memref_squeeze %dma_start3A_33 : memref<1x16384xf32, #tpu.memory_space<hbm>> -> memref<16384xf32, #tpu.memory_space<hbm>>
        tpu.enqueue_dma source(%arg14 : memref<16384xf32, #tpu.memory_space<vmem>>) target(%dma_start3A_34 : memref<16384xf32, #tpu.memory_space<hbm>>) target_semaphore(%run_scoped3A : memref<!tpu.dma_semaphore, #tpu.memory_space<semaphore_mem>>)
        %dma_wait3A = arith.constant 0 : i32
        %dma_wait3A_35 = tpu.memref_slice %arg9[%add3A, %dma_wait3A] : memref<24x16384xf32, #tpu.memory_space<hbm>> -> memref<1x16384xf32, #tpu.memory_space<hbm>>
        %dma_wait3A_36 = tpu.memref_squeeze %dma_wait3A_35 : memref<1x16384xf32, #tpu.memory_space<hbm>> -> memref<16384xf32, #tpu.memory_space<hbm>>
        %dma_wait3A_37 = arith.constant 0 : i32
        %dma_wait3A_38 = tpu.memref_slice %arg9[%add3A, %dma_wait3A_37] : memref<24x16384xf32, #tpu.memory_space<hbm>> -> memref<1x16384xf32, #tpu.memory_space<hbm>>
        %dma_wait3A_39 = tpu.memref_squeeze %dma_wait3A_38 : memref<1x16384xf32, #tpu.memory_space<hbm>> -> memref<16384xf32, #tpu.memory_space<hbm>>
        tpu.wait_dma2 semaphore(%run_scoped3A : memref<!tpu.dma_semaphore, #tpu.memory_space<semaphore_mem>>) src(%arg14 : memref<16384xf32, #tpu.memory_space<vmem>>) dst(%dma_wait3A_39 : memref<16384xf32, #tpu.memory_space<hbm>>)
        tpu.yield
      }) : () -> ()
    } else {
    }
    return
  }
}

module attributes {stable_mosaic.version = 14 : i64} {
  func.func @_fps_body(%arg0: memref<8x4096xf32, #tpu.memory_space<vmem>>, %arg1: memref<8x4096xf32, #tpu.memory_space<vmem>>, %arg2: memref<8x4096xf32, #tpu.memory_space<vmem>>, %arg3: memref<8x512xi32, #tpu.memory_space<vmem>>, %arg4: memref<8x512xf32, #tpu.memory_space<vmem>>, %arg5: memref<8x512xf32, #tpu.memory_space<vmem>>, %arg6: memref<8x512xf32, #tpu.memory_space<vmem>>, %arg7: memref<8x4096xf32, #tpu.memory_space<vmem>>) attributes {dimension_semantics = [], scalar_prefetch = 0 : i64, scratch_operands = 1 : i64, tpu.core_type = #tpu.core_type<tc>} {
    %get3A = arith.constant 0 : index
    %get3A_0 = arith.constant 0 : index
    %get3A_1 = vector.load %arg0[%get3A, %get3A_0] : memref<8x4096xf32, #tpu.memory_space<vmem>>, vector<8x4096xf32>
    %get3A_2 = arith.constant 0 : index
    %get3A_3 = arith.constant 0 : index
    %get3A_4 = vector.load %arg1[%get3A_2, %get3A_3] : memref<8x4096xf32, #tpu.memory_space<vmem>>, vector<8x4096xf32>
    %get3A_5 = arith.constant 0 : index
    %get3A_6 = arith.constant 0 : index
    %get3A_7 = vector.load %arg2[%get3A_5, %get3A_6] : memref<8x4096xf32, #tpu.memory_space<vmem>>, vector<8x4096xf32>
    %iota3A = tpu.iota {dimensions = array<i32: 1>} : vector<8x4096xi32>
    %iota3A_8 = tpu.iota {dimensions = array<i32: 1>} : vector<8x512xi32>
    %broadcast_in_dim3A = arith.constant 0 : i32
    %broadcast_in_dim3A_9 = vector.broadcast %broadcast_in_dim3A : i32 to vector<8x512xi32>
    %swap3A = arith.constant 0 : index
    %swap3A_10 = arith.constant 0 : index
    %swap3A_11 = vector.load %arg3[%swap3A, %swap3A_10] : memref<8x512xi32, #tpu.memory_space<vmem>>, vector<8x512xi32>
    tpu.vector_store %arg3[%swap3A, %swap3A_10], %broadcast_in_dim3A_9 {strides = array<i32>} : memref<8x512xi32, #tpu.memory_space<vmem>>, vector<8x512xi32>,
    %broadcast_in_dim3A_12 = arith.constant 0.000000e+00 : f32
    %broadcast_in_dim3A_13 = vector.broadcast %broadcast_in_dim3A_12 : f32 to vector<8x512xf32>
    %swap3A_14 = arith.constant 0 : index
    %swap3A_15 = arith.constant 0 : index
    %swap3A_16 = vector.load %arg4[%swap3A_14, %swap3A_15] : memref<8x512xf32, #tpu.memory_space<vmem>>, vector<8x512xf32>
    tpu.vector_store %arg4[%swap3A_14, %swap3A_15], %broadcast_in_dim3A_13 {strides = array<i32>} : memref<8x512xf32, #tpu.memory_space<vmem>>, vector<8x512xf32>,
    %broadcast_in_dim3A_17 = arith.constant 0.000000e+00 : f32
    %broadcast_in_dim3A_18 = vector.broadcast %broadcast_in_dim3A_17 : f32 to vector<8x512xf32>
    %swap3A_19 = arith.constant 0 : index
    %swap3A_20 = arith.constant 0 : index
    %swap3A_21 = vector.load %arg5[%swap3A_19, %swap3A_20] : memref<8x512xf32, #tpu.memory_space<vmem>>, vector<8x512xf32>
    tpu.vector_store %arg5[%swap3A_19, %swap3A_20], %broadcast_in_dim3A_18 {strides = array<i32>} : memref<8x512xf32, #tpu.memory_space<vmem>>, vector<8x512xf32>,
    %broadcast_in_dim3A_22 = arith.constant 0.000000e+00 : f32
    %broadcast_in_dim3A_23 = vector.broadcast %broadcast_in_dim3A_22 : f32 to vector<8x512xf32>
    %swap3A_24 = arith.constant 0 : index
    %swap3A_25 = arith.constant 0 : index
    %swap3A_26 = vector.load %arg6[%swap3A_24, %swap3A_25] : memref<8x512xf32, #tpu.memory_space<vmem>>, vector<8x512xf32>
    tpu.vector_store %arg6[%swap3A_24, %swap3A_25], %broadcast_in_dim3A_23 {strides = array<i32>} : memref<8x512xf32, #tpu.memory_space<vmem>>, vector<8x512xf32>,
    %broadcast_in_dim3A_27 = arith.constant 1.000000e+10 : f32
    %broadcast_in_dim3A_28 = vector.broadcast %broadcast_in_dim3A_27 : f32 to vector<8x4096xf32>
    %swap3A_29 = arith.constant 0 : index
    %swap3A_30 = arith.constant 0 : index
    %swap3A_31 = vector.load %arg7[%swap3A_29, %swap3A_30] : memref<8x4096xf32, #tpu.memory_space<vmem>>, vector<8x4096xf32>
    tpu.vector_store %arg7[%swap3A_29, %swap3A_30], %broadcast_in_dim3A_28 {strides = array<i32>} : memref<8x4096xf32, #tpu.memory_space<vmem>>, vector<8x4096xf32>,
    %broadcast_in_dim3A_32 = arith.constant 0 : i32
    %broadcast_in_dim3A_33 = vector.broadcast %broadcast_in_dim3A_32 : i32 to vector<8x1xi32>
    %scan3A = arith.constant 1 : i32
    %scan3A_34 = arith.constant 511 : i32
    %scan3A_35 = arith.addi %scan3A, %scan3A_34 : i32
    %scan3A_36 = arith.constant 1 : i32
    %scan3A_37 = scf.for %scan3A_80 = %scan3A to %scan3A_35 step %scan3A_36 iter_args(%scan3A_81 = %broadcast_in_dim3A_33) -> (vector<8x1xi32>)  : i32 {
      %eq3A_82 = vector.broadcast %scan3A_81 : vector<8x1xi32> to vector<8x4096xi32>
      %eq3A_83 = arith.cmpi eq, %iota3A, %eq3A_82 : vector<8x4096xi32>
      %convert_element_type3A_84 = arith.extui %eq3A_83 : vector<8x4096xi1> to vector<8x4096xi32>
      %convert_element_type3A_85 = arith.sitofp %convert_element_type3A_84 : vector<8x4096xi32> to vector<8x4096xf32>
      %mul3A_86 = arith.mulf %get3A_1, %convert_element_type3A_85 : vector<8x4096xf32>
      %reduce_sum3A_87 = arith.constant dense<0.000000e+00> : vector<8xf32>
      %reduce_sum3A_88 = vector.multi_reduction <add>, %mul3A_86, %reduce_sum3A_87 [1] : vector<8x4096xf32> to vector<8xf32>
      %broadcast_in_dim3A_89 = vector.shape_cast %reduce_sum3A_88 : vector<8xf32> to vector<8x1xf32>
      %mul3A_90 = arith.mulf %get3A_4, %convert_element_type3A_85 : vector<8x4096xf32>
      %reduce_sum3A_91 = arith.constant dense<0.000000e+00> : vector<8xf32>
      %reduce_sum3A_92 = vector.multi_reduction <add>, %mul3A_90, %reduce_sum3A_91 [1] : vector<8x4096xf32> to vector<8xf32>
      %broadcast_in_dim3A_93 = vector.shape_cast %reduce_sum3A_92 : vector<8xf32> to vector<8x1xf32>
      %mul3A_94 = arith.mulf %get3A_7, %convert_element_type3A_85 : vector<8x4096xf32>
      %reduce_sum3A_95 = arith.constant dense<0.000000e+00> : vector<8xf32>
      %reduce_sum3A_96 = vector.multi_reduction <add>, %mul3A_94, %reduce_sum3A_95 [1] : vector<8x4096xf32> to vector<8xf32>
      %broadcast_in_dim3A_97 = vector.shape_cast %reduce_sum3A_96 : vector<8xf32> to vector<8x1xf32>
      %sub3A = arith.constant 1 : i32
      %sub3A_98 = arith.subi %scan3A_80, %sub3A : i32
      %eq3A_99 = vector.broadcast %sub3A_98 : i32 to vector<8x512xi32>
      %eq3A_100 = arith.cmpi eq, %iota3A_8, %eq3A_99 : vector<8x512xi32>
      %get3A_101 = arith.constant 0 : index
      %get3A_102 = arith.constant 0 : index
      %get3A_103 = vector.load %arg4[%get3A_101, %get3A_102] : memref<8x512xf32, #tpu.memory_space<vmem>>, vector<8x512xf32>
      %broadcast_in_dim3A_104 = vector.shape_cast %broadcast_in_dim3A_89 : vector<8x1xf32> to vector<8x1xf32>
      %broadcast_in_dim3A_105 = vector.broadcast %broadcast_in_dim3A_104 : vector<8x1xf32> to vector<8x512xf32>
      %select_n3A_106 = arith.select %eq3A_100, %broadcast_in_dim3A_105, %get3A_103 : vector<8x512xi1>, vector<8x512xf32>
      %swap3A_107 = arith.constant 0 : index
      %swap3A_108 = arith.constant 0 : index
      %swap3A_109 = vector.load %arg4[%swap3A_107, %swap3A_108] : memref<8x512xf32, #tpu.memory_space<vmem>>, vector<8x512xf32>
      tpu.vector_store %arg4[%swap3A_107, %swap3A_108], %select_n3A_106 {strides = array<i32>} : memref<8x512xf32, #tpu.memory_space<vmem>>, vector<8x512xf32>,
      %get3A_110 = arith.constant 0 : index
      %get3A_111 = arith.constant 0 : index
      %get3A_112 = vector.load %arg5[%get3A_110, %get3A_111] : memref<8x512xf32, #tpu.memory_space<vmem>>, vector<8x512xf32>
      %broadcast_in_dim3A_113 = vector.shape_cast %broadcast_in_dim3A_93 : vector<8x1xf32> to vector<8x1xf32>
      %broadcast_in_dim3A_114 = vector.broadcast %broadcast_in_dim3A_113 : vector<8x1xf32> to vector<8x512xf32>
      %select_n3A_115 = arith.select %eq3A_100, %broadcast_in_dim3A_114, %get3A_112 : vector<8x512xi1>, vector<8x512xf32>
      %swap3A_116 = arith.constant 0 : index
      %swap3A_117 = arith.constant 0 : index
      %swap3A_118 = vector.load %arg5[%swap3A_116, %swap3A_117] : memref<8x512xf32, #tpu.memory_space<vmem>>, vector<8x512xf32>
      tpu.vector_store %arg5[%swap3A_116, %swap3A_117], %select_n3A_115 {strides = array<i32>} : memref<8x512xf32, #tpu.memory_space<vmem>>, vector<8x512xf32>,
      %get3A_119 = arith.constant 0 : index
      %get3A_120 = arith.constant 0 : index
      %get3A_121 = vector.load %arg6[%get3A_119, %get3A_120] : memref<8x512xf32, #tpu.memory_space<vmem>>, vector<8x512xf32>
      %broadcast_in_dim3A_122 = vector.shape_cast %broadcast_in_dim3A_97 : vector<8x1xf32> to vector<8x1xf32>
      %broadcast_in_dim3A_123 = vector.broadcast %broadcast_in_dim3A_122 : vector<8x1xf32> to vector<8x512xf32>
      %select_n3A_124 = arith.select %eq3A_100, %broadcast_in_dim3A_123, %get3A_121 : vector<8x512xi1>, vector<8x512xf32>
      %swap3A_125 = arith.constant 0 : index
      %swap3A_126 = arith.constant 0 : index
      %swap3A_127 = vector.load %arg6[%swap3A_125, %swap3A_126] : memref<8x512xf32, #tpu.memory_space<vmem>>, vector<8x512xf32>
      tpu.vector_store %arg6[%swap3A_125, %swap3A_126], %select_n3A_124 {strides = array<i32>} : memref<8x512xf32, #tpu.memory_space<vmem>>, vector<8x512xf32>,
      %sub3A_128 = vector.broadcast %broadcast_in_dim3A_89 : vector<8x1xf32> to vector<8x4096xf32>
      %sub3A_129 = arith.subf %get3A_1, %sub3A_128 : vector<8x4096xf32>
      %sub3A_130 = vector.broadcast %broadcast_in_dim3A_93 : vector<8x1xf32> to vector<8x4096xf32>
      %sub3A_131 = arith.subf %get3A_4, %sub3A_130 : vector<8x4096xf32>
      %sub3A_132 = vector.broadcast %broadcast_in_dim3A_97 : vector<8x1xf32> to vector<8x4096xf32>
      %sub3A_133 = arith.subf %get3A_7, %sub3A_132 : vector<8x4096xf32>
      %mul3A_134 = arith.mulf %sub3A_129, %sub3A_129 : vector<8x4096xf32>
      %mul3A_135 = arith.mulf %sub3A_131, %sub3A_131 : vector<8x4096xf32>
      %add3A = arith.addf %mul3A_134, %mul3A_135 : vector<8x4096xf32>
      %mul3A_136 = arith.mulf %sub3A_133, %sub3A_133 : vector<8x4096xf32>
      %add3A_137 = arith.addf %add3A, %mul3A_136 : vector<8x4096xf32>
      %get3A_138 = arith.constant 0 : index
      %get3A_139 = arith.constant 0 : index
      %get3A_140 = vector.load %arg7[%get3A_138, %get3A_139] : memref<8x4096xf32, #tpu.memory_space<vmem>>, vector<8x4096xf32>
      %min3A = arith.minimumf %get3A_140, %add3A_137 : vector<8x4096xf32>
      %swap3A_141 = arith.constant 0 : index
      %swap3A_142 = arith.constant 0 : index
      %swap3A_143 = vector.load %arg7[%swap3A_141, %swap3A_142] : memref<8x4096xf32, #tpu.memory_space<vmem>>, vector<8x4096xf32>
      tpu.vector_store %arg7[%swap3A_141, %swap3A_142], %min3A {strides = array<i32>} : memref<8x4096xf32, #tpu.memory_space<vmem>>, vector<8x4096xf32>,
      %reduce_max3A = arith.constant dense<0xFF800000> : vector<8xf32>
      %reduce_max3A_144 = vector.multi_reduction <maximumf>, %min3A, %reduce_max3A [1] : vector<8x4096xf32> to vector<8xf32>
      %broadcast_in_dim3A_145 = vector.shape_cast %reduce_max3A_144 : vector<8xf32> to vector<8x1xf32>
      %eq3A_146 = vector.broadcast %broadcast_in_dim3A_145 : vector<8x1xf32> to vector<8x4096xf32>
      %eq3A_147 = arith.cmpf oeq, %min3A, %eq3A_146 : vector<8x4096xf32>
      %jit3A = arith.constant 4096 : i32
      %broadcast_in_dim3A_148 = vector.broadcast %jit3A : i32 to vector<8x4096xi32>
      %select_n3A_149 = arith.select %eq3A_147, %iota3A, %broadcast_in_dim3A_148 : vector<8x4096xi1>, vector<8x4096xi32>
      %reduce_min3A = arith.constant dense<2147483647> : vector<8xi32>
      %reduce_min3A_150 = vector.multi_reduction <minsi>, %select_n3A_149, %reduce_min3A [1] : vector<8x4096xi32> to vector<8xi32>
      %broadcast_in_dim3A_151 = vector.shape_cast %reduce_min3A_150 : vector<8xi32> to vector<8x1xi32>
      %get3A_152 = arith.constant 0 : index
      %get3A_153 = arith.constant 0 : index
      %get3A_154 = vector.load %arg3[%get3A_152, %get3A_153] : memref<8x512xi32, #tpu.memory_space<vmem>>, vector<8x512xi32>
      %eq3A_155 = vector.broadcast %scan3A_80 : i32 to vector<8x512xi32>
      %eq3A_156 = arith.cmpi eq, %iota3A_8, %eq3A_155 : vector<8x512xi32>
      %jit3A_157 = arith.constant 0 : i32
      %broadcast_in_dim3A_158 = vector.shape_cast %broadcast_in_dim3A_151 : vector<8x1xi32> to vector<8x1xi32>
      %broadcast_in_dim3A_159 = vector.broadcast %broadcast_in_dim3A_158 : vector<8x1xi32> to vector<8x512xi32>
      %broadcast_in_dim3A_160 = vector.broadcast %jit3A_157 : i32 to vector<8x512xi32>
      %select_n3A_161 = arith.select %eq3A_156, %broadcast_in_dim3A_159, %broadcast_in_dim3A_160 : vector<8x512xi1>, vector<8x512xi32>
      %add3A_162 = arith.addi %get3A_154, %select_n3A_161 : vector<8x512xi32>
      %swap3A_163 = arith.constant 0 : index
      %swap3A_164 = arith.constant 0 : index
      %swap3A_165 = vector.load %arg3[%swap3A_163, %swap3A_164] : memref<8x512xi32, #tpu.memory_space<vmem>>, vector<8x512xi32>
      tpu.vector_store %arg3[%swap3A_163, %swap3A_164], %add3A_162 {strides = array<i32>} : memref<8x512xi32, #tpu.memory_space<vmem>>, vector<8x512xi32>,
      scf.yield %broadcast_in_dim3A_151 : vector<8x1xi32>
    }
    %scan3A_38 = arith.constant 511 : i32
    %eq3A = vector.broadcast %scan3A_37 : vector<8x1xi32> to vector<8x4096xi32>
    %eq3A_39 = arith.cmpi eq, %iota3A, %eq3A : vector<8x4096xi32>
    %convert_element_type3A = arith.extui %eq3A_39 : vector<8x4096xi1> to vector<8x4096xi32>
    %convert_element_type3A_40 = arith.sitofp %convert_element_type3A : vector<8x4096xi32> to vector<8x4096xf32>
    %mul3A = arith.mulf %get3A_1, %convert_element_type3A_40 : vector<8x4096xf32>
    %reduce_sum3A = arith.constant dense<0.000000e+00> : vector<8xf32>
    %reduce_sum3A_41 = vector.multi_reduction <add>, %mul3A, %reduce_sum3A [1] : vector<8x4096xf32> to vector<8xf32>
    %broadcast_in_dim3A_42 = vector.shape_cast %reduce_sum3A_41 : vector<8xf32> to vector<8x1xf32>
    %mul3A_43 = arith.mulf %get3A_4, %convert_element_type3A_40 : vector<8x4096xf32>
    %reduce_sum3A_44 = arith.constant dense<0.000000e+00> : vector<8xf32>
    %reduce_sum3A_45 = vector.multi_reduction <add>, %mul3A_43, %reduce_sum3A_44 [1] : vector<8x4096xf32> to vector<8xf32>
    %broadcast_in_dim3A_46 = vector.shape_cast %reduce_sum3A_45 : vector<8xf32> to vector<8x1xf32>
    %mul3A_47 = arith.mulf %get3A_7, %convert_element_type3A_40 : vector<8x4096xf32>
    %reduce_sum3A_48 = arith.constant dense<0.000000e+00> : vector<8xf32>
    %reduce_sum3A_49 = vector.multi_reduction <add>, %mul3A_47, %reduce_sum3A_48 [1] : vector<8x4096xf32> to vector<8xf32>
    %broadcast_in_dim3A_50 = vector.shape_cast %reduce_sum3A_49 : vector<8xf32> to vector<8x1xf32>
    %eq3A_51 = arith.constant 511 : i32
    %eq3A_52 = vector.broadcast %eq3A_51 : i32 to vector<8x512xi32>
    %eq3A_53 = arith.cmpi eq, %iota3A_8, %eq3A_52 : vector<8x512xi32>
    %get3A_54 = arith.constant 0 : index
    %get3A_55 = arith.constant 0 : index
    %get3A_56 = vector.load %arg4[%get3A_54, %get3A_55] : memref<8x512xf32, #tpu.memory_space<vmem>>, vector<8x512xf32>
    %broadcast_in_dim3A_57 = vector.shape_cast %broadcast_in_dim3A_42 : vector<8x1xf32> to vector<8x1xf32>
    %broadcast_in_dim3A_58 = vector.broadcast %broadcast_in_dim3A_57 : vector<8x1xf32> to vector<8x512xf32>
    %select_n3A = arith.select %eq3A_53, %broadcast_in_dim3A_58, %get3A_56 : vector<8x512xi1>, vector<8x512xf32>
    %swap3A_59 = arith.constant 0 : index
    %swap3A_60 = arith.constant 0 : index
    %swap3A_61 = vector.load %arg4[%swap3A_59, %swap3A_60] : memref<8x512xf32, #tpu.memory_space<vmem>>, vector<8x512xf32>
    tpu.vector_store %arg4[%swap3A_59, %swap3A_60], %select_n3A {strides = array<i32>} : memref<8x512xf32, #tpu.memory_space<vmem>>, vector<8x512xf32>,
    %get3A_62 = arith.constant 0 : index
    %get3A_63 = arith.constant 0 : index
    %get3A_64 = vector.load %arg5[%get3A_62, %get3A_63] : memref<8x512xf32, #tpu.memory_space<vmem>>, vector<8x512xf32>
    %broadcast_in_dim3A_65 = vector.shape_cast %broadcast_in_dim3A_46 : vector<8x1xf32> to vector<8x1xf32>
    %broadcast_in_dim3A_66 = vector.broadcast %broadcast_in_dim3A_65 : vector<8x1xf32> to vector<8x512xf32>
    %select_n3A_67 = arith.select %eq3A_53, %broadcast_in_dim3A_66, %get3A_64 : vector<8x512xi1>, vector<8x512xf32>
    %swap3A_68 = arith.constant 0 : index
    %swap3A_69 = arith.constant 0 : index
    %swap3A_70 = vector.load %arg5[%swap3A_68, %swap3A_69] : memref<8x512xf32, #tpu.memory_space<vmem>>, vector<8x512xf32>
    tpu.vector_store %arg5[%swap3A_68, %swap3A_69], %select_n3A_67 {strides = array<i32>} : memref<8x512xf32, #tpu.memory_space<vmem>>, vector<8x512xf32>,
    %get3A_71 = arith.constant 0 : index
    %get3A_72 = arith.constant 0 : index
    %get3A_73 = vector.load %arg6[%get3A_71, %get3A_72] : memref<8x512xf32, #tpu.memory_space<vmem>>, vector<8x512xf32>
    %broadcast_in_dim3A_74 = vector.shape_cast %broadcast_in_dim3A_50 : vector<8x1xf32> to vector<8x1xf32>
    %broadcast_in_dim3A_75 = vector.broadcast %broadcast_in_dim3A_74 : vector<8x1xf32> to vector<8x512xf32>
    %select_n3A_76 = arith.select %eq3A_53, %broadcast_in_dim3A_75, %get3A_73 : vector<8x512xi1>, vector<8x512xf32>
    %swap3A_77 = arith.constant 0 : index
    %swap3A_78 = arith.constant 0 : index
    %swap3A_79 = vector.load %arg6[%swap3A_77, %swap3A_78] : memref<8x512xf32, #tpu.memory_space<vmem>>, vector<8x512xf32>
    tpu.vector_store %arg6[%swap3A_77, %swap3A_78], %select_n3A_76 {strides = array<i32>} : memref<8x512xf32, #tpu.memory_space<vmem>>, vector<8x512xf32>,
    return
  }
}

module attributes {stable_mosaic.version = 14 : i64} {
  func.func @_dist_body(%arg0: i32, %arg1: i32, %arg2: memref<1x128x1xf32, #tpu.memory_space<vmem>>, %arg3: memref<1x128x1xf32, #tpu.memory_space<vmem>>, %arg4: memref<1x128x1xf32, #tpu.memory_space<vmem>>, %arg5: memref<1x1x4096xf32, #tpu.memory_space<vmem>>, %arg6: memref<1x1x4096xf32, #tpu.memory_space<vmem>>, %arg7: memref<1x1x4096xf32, #tpu.memory_space<vmem>>, %arg8: memref<1x128x4096xf32, #tpu.memory_space<vmem>>) attributes {dimension_semantics = [#tpu.dimension_semantics<arbitrary>, #tpu.dimension_semantics<arbitrary>], iteration_bounds = array<i64: 8, 4>, scalar_prefetch = 0 : i64, scratch_operands = 0 : i64, tpu.core_type = #tpu.core_type<tc>, window_params = [{transform_indices = @transform_0, window_bounds = array<i64: 1, 128, 1>}, {transform_indices = @transform_1, window_bounds = array<i64: 1, 128, 1>}, {transform_indices = @transform_2, window_bounds = array<i64: 1, 128, 1>}, {transform_indices = @transform_3, window_bounds = array<i64: 1, 1, 4096>}, {transform_indices = @transform_4, window_bounds = array<i64: 1, 1, 4096>}, {transform_indices = @transform_5, window_bounds = array<i64: 1, 1, 4096>}, {transform_indices = @transform_6, window_bounds = array<i64: 1, 128, 4096>}]} {
    %get3A = arith.constant 0 : index
    %get3A_0 = arith.constant 0 : index
    %get3A_1 = arith.constant 0 : index
    %get3A_2 = vector.load %arg2[%get3A, %get3A_0, %get3A_1] : memref<1x128x1xf32, #tpu.memory_space<vmem>>, vector<1x128x1xf32>
    %get3A_3 = vector.shape_cast %get3A_2 : vector<1x128x1xf32> to vector<128x1xf32>
    %get3A_4 = arith.constant 0 : index
    %get3A_5 = arith.constant 0 : index
    %get3A_6 = arith.constant 0 : index
    %get3A_7 = vector.load %arg3[%get3A_4, %get3A_5, %get3A_6] : memref<1x128x1xf32, #tpu.memory_space<vmem>>, vector<1x128x1xf32>
    %get3A_8 = vector.shape_cast %get3A_7 : vector<1x128x1xf32> to vector<128x1xf32>
    %get3A_9 = arith.constant 0 : index
    %get3A_10 = arith.constant 0 : index
    %get3A_11 = arith.constant 0 : index
    %get3A_12 = vector.load %arg4[%get3A_9, %get3A_10, %get3A_11] : memref<1x128x1xf32, #tpu.memory_space<vmem>>, vector<1x128x1xf32>
    %get3A_13 = vector.shape_cast %get3A_12 : vector<1x128x1xf32> to vector<128x1xf32>
    %get3A_14 = arith.constant 0 : index
    %get3A_15 = arith.constant 0 : index
    %get3A_16 = arith.constant 0 : index
    %get3A_17 = vector.load %arg5[%get3A_14, %get3A_15, %get3A_16] : memref<1x1x4096xf32, #tpu.memory_space<vmem>>, vector<1x1x4096xf32>
    %get3A_18 = vector.shape_cast %get3A_17 : vector<1x1x4096xf32> to vector<1x4096xf32>
    %get3A_19 = arith.constant 0 : index
    %get3A_20 = arith.constant 0 : index
    %get3A_21 = arith.constant 0 : index
    %get3A_22 = vector.load %arg6[%get3A_19, %get3A_20, %get3A_21] : memref<1x1x4096xf32, #tpu.memory_space<vmem>>, vector<1x1x4096xf32>
    %get3A_23 = vector.shape_cast %get3A_22 : vector<1x1x4096xf32> to vector<1x4096xf32>
    %get3A_24 = arith.constant 0 : index
    %get3A_25 = arith.constant 0 : index
    %get3A_26 = arith.constant 0 : index
    %get3A_27 = vector.load %arg7[%get3A_24, %get3A_25, %get3A_26] : memref<1x1x4096xf32, #tpu.memory_space<vmem>>, vector<1x1x4096xf32>
    %get3A_28 = vector.shape_cast %get3A_27 : vector<1x1x4096xf32> to vector<1x4096xf32>
    %convert_element_type3A = arith.truncf %get3A_3 : vector<128x1xf32> to vector<128x1xbf16>
    %convert_element_type3A_29 = arith.extf %convert_element_type3A : vector<128x1xbf16> to vector<128x1xf32>
    %convert_element_type3A_30 = arith.truncf %get3A_18 : vector<1x4096xf32> to vector<1x4096xbf16>
    %convert_element_type3A_31 = arith.extf %convert_element_type3A_30 : vector<1x4096xbf16> to vector<1x4096xf32>
    %mul3A = vector.broadcast %convert_element_type3A_29 : vector<128x1xf32> to vector<128x4096xf32>
    %mul3A_32 = vector.broadcast %convert_element_type3A_31 : vector<1x4096xf32> to vector<128x4096xf32>
    %mul3A_33 = arith.mulf %mul3A, %mul3A_32 : vector<128x4096xf32>
    %convert_element_type3A_34 = arith.truncf %get3A_8 : vector<128x1xf32> to vector<128x1xbf16>
    %convert_element_type3A_35 = arith.extf %convert_element_type3A_34 : vector<128x1xbf16> to vector<128x1xf32>
    %convert_element_type3A_36 = arith.truncf %get3A_23 : vector<1x4096xf32> to vector<1x4096xbf16>
    %convert_element_type3A_37 = arith.extf %convert_element_type3A_36 : vector<1x4096xbf16> to vector<1x4096xf32>
    %mul3A_38 = vector.broadcast %convert_element_type3A_35 : vector<128x1xf32> to vector<128x4096xf32>
    %mul3A_39 = vector.broadcast %convert_element_type3A_37 : vector<1x4096xf32> to vector<128x4096xf32>
    %mul3A_40 = arith.mulf %mul3A_38, %mul3A_39 : vector<128x4096xf32>
    %add3A = arith.addf %mul3A_33, %mul3A_40 : vector<128x4096xf32>
    %convert_element_type3A_41 = arith.truncf %get3A_13 : vector<128x1xf32> to vector<128x1xbf16>
    %convert_element_type3A_42 = arith.extf %convert_element_type3A_41 : vector<128x1xbf16> to vector<128x1xf32>
    %convert_element_type3A_43 = arith.truncf %get3A_28 : vector<1x4096xf32> to vector<1x4096xbf16>
    %convert_element_type3A_44 = arith.extf %convert_element_type3A_43 : vector<1x4096xbf16> to vector<1x4096xf32>
    %mul3A_45 = vector.broadcast %convert_element_type3A_42 : vector<128x1xf32> to vector<128x4096xf32>
    %mul3A_46 = vector.broadcast %convert_element_type3A_44 : vector<1x4096xf32> to vector<128x4096xf32>
    %mul3A_47 = arith.mulf %mul3A_45, %mul3A_46 : vector<128x4096xf32>
    %add3A_48 = arith.addf %add3A, %mul3A_47 : vector<128x4096xf32>
    %mul3A_49 = arith.mulf %get3A_3, %get3A_3 : vector<128x1xf32>
    %mul3A_50 = arith.mulf %get3A_8, %get3A_8 : vector<128x1xf32>
    %add3A_51 = arith.addf %mul3A_49, %mul3A_50 : vector<128x1xf32>
    %mul3A_52 = arith.mulf %get3A_13, %get3A_13 : vector<128x1xf32>
    %add3A_53 = arith.addf %add3A_51, %mul3A_52 : vector<128x1xf32>
    %mul3A_54 = arith.mulf %get3A_18, %get3A_18 : vector<1x4096xf32>
    %mul3A_55 = arith.mulf %get3A_23, %get3A_23 : vector<1x4096xf32>
    %add3A_56 = arith.addf %mul3A_54, %mul3A_55 : vector<1x4096xf32>
    %mul3A_57 = arith.mulf %get3A_28, %get3A_28 : vector<1x4096xf32>
    %add3A_58 = arith.addf %add3A_56, %mul3A_57 : vector<1x4096xf32>
    %mul3A_59 = arith.constant 2.000000e+00 : f32
    %mul3A_60 = vector.broadcast %mul3A_59 : f32 to vector<128x4096xf32>
    %mul3A_61 = arith.mulf %mul3A_60, %add3A_48 : vector<128x4096xf32>
    %sub3A = vector.broadcast %add3A_53 : vector<128x1xf32> to vector<128x4096xf32>
    %sub3A_62 = arith.subf %sub3A, %mul3A_61 : vector<128x4096xf32>
    %add3A_63 = vector.broadcast %add3A_58 : vector<1x4096xf32> to vector<128x4096xf32>
    %add3A_64 = arith.addf %sub3A_62, %add3A_63 : vector<128x4096xf32>
    %swap3A = arith.constant 0 : index
    %swap3A_65 = arith.constant 0 : index
    %swap3A_66 = arith.constant 0 : index
    %swap3A_67 = vector.load %arg8[%swap3A, %swap3A_65, %swap3A_66] : memref<1x128x4096xf32, #tpu.memory_space<vmem>>, vector<1x128x4096xf32>
    %swap3A_68 = vector.shape_cast %swap3A_67 : vector<1x128x4096xf32> to vector<128x4096xf32>
    %swap3A_69 = vector.shape_cast %add3A_64 : vector<128x4096xf32> to vector<1x128x4096xf32>
    tpu.vector_store %arg8[%swap3A, %swap3A_65, %swap3A_66], %swap3A_69 {strides = array<i32>} : memref<1x128x4096xf32, #tpu.memory_space<vmem>>, vector<1x128x4096xf32>,
    return
  }
  func.func @transform_0(%arg0: i32, %arg1: i32) -> (i32, i32, i32) {
    %c0_i32 = arith.constant 0 : i32
    %c0_i32_0 = arith.constant 0 : i32
    return %arg0, %arg1, %c0_i32 : i32, i32, i32
  }
  func.func @transform_1(%arg0: i32, %arg1: i32) -> (i32, i32, i32) {
    %c0_i32 = arith.constant 0 : i32
    %c0_i32_0 = arith.constant 0 : i32
    return %arg0, %arg1, %c0_i32 : i32, i32, i32
  }
  func.func @transform_2(%arg0: i32, %arg1: i32) -> (i32, i32, i32) {
    %c0_i32 = arith.constant 0 : i32
    %c0_i32_0 = arith.constant 0 : i32
    return %arg0, %arg1, %c0_i32 : i32, i32, i32
  }
  func.func @transform_3(%arg0: i32, %arg1: i32) -> (i32, i32, i32) {
    %c0_i32 = arith.constant 0 : i32
    %c0_i32_0 = arith.constant 0 : i32
    %c0_i32_1 = arith.constant 0 : i32
    return %arg0, %c0_i32, %c0_i32_0 : i32, i32, i32
  }
  func.func @transform_4(%arg0: i32, %arg1: i32) -> (i32, i32, i32) {
    %c0_i32 = arith.constant 0 : i32
    %c0_i32_0 = arith.constant 0 : i32
    %c0_i32_1 = arith.constant 0 : i32
    return %arg0, %c0_i32, %c0_i32_0 : i32, i32, i32
  }
  func.func @transform_5(%arg0: i32, %arg1: i32) -> (i32, i32, i32) {
    %c0_i32 = arith.constant 0 : i32
    %c0_i32_0 = arith.constant 0 : i32
    %c0_i32_1 = arith.constant 0 : i32
    return %arg0, %c0_i32, %c0_i32_0 : i32, i32, i32
  }
  func.func @transform_6(%arg0: i32, %arg1: i32) -> (i32, i32, i32) {
    %c0_i32 = arith.constant 0 : i32
    %c0_i32_0 = arith.constant 0 : i32
    return %arg0, %arg1, %c0_i32 : i32, i32, i32
  }
}

</mosaic_0001>

<sc_bundles>
// kernel: kernel.6.cloned.1.call-start
scs
__scs_entry_jumppad:
0x0: {  	(pc) =	sbr.rel $0x88, $3  }
0x1: {  	(tag) =	ssettag $0x0;
	lr =	simm.s32 $0x1  }
0x2: {  	[smem:$0x3F9F] =	sst lr;
	_ =	strace $0xD0000000  }
0x3: {  	_ = 	snop  }
0x4: {  	_ = 	snop  }
0x5: {  	_ = 	snop  }
0x6: {  	_ = 	snop  }
0x7: {  	_ = 	snop  }
__scs_overlays_trampoline_lowered:
0x8: {  	[smem:$0x3FAE] =	sst s0  }
0x9: {  	[smem:$0x3FAF] =	sst s1  }
0xa: {  	[smem:$0x3FB0] =	sst s2  }
0xb: {  	[smem:$0x3FB1] =	sst s3  }
0xc: {  	[smem:$0x3FB2] =	sst s4  }
0xd: {  	[smem:$0x3FB3] =	sst s5  }
0xe: {  	[smem:$0x3FB4] =	sst s6  }
0xf: {  	[smem:$0x3FB5] =	sst s7  }
0x10: {  	[smem:$0x3FB6] =	sst s8  }
0x11: {  	[smem:$0x3FB7] =	sst s9;
	s0 =	simm.s32 @!p0 $0x0  }
0x12: {  	s1 =	sld [smem:$0x3F9D];
	s0 =	simm.s32 @p0 $0x1  }
0x13: {  	[smem:$0x3FB8] =	sst s0;
	s0 =	simm.s32 @!p1 $0x0  }
0x14: {  	s2 =	sld [smem:$0x3F9C];
	s0 =	simm.s32 @p1 $0x1  }
0x15: {  	[smem:$0x3FB9] =	sst s0;
	s0 =	simm.s32 @!p2 $0x0  }
0x16: {  	s3 =	sld [smem:$0x3FDB];
	s0 =	simm.s32 @p2 $0x1  }
0x17: {  	s4 =	simm.s32 $0x1BF5;
	[smem:$0x3FBB] =	sst s0  }
0x18: {  	s0 =	sld [smem:$0x3F9E];
	_ =	swait.ge [sflag:s4], $0x0  }
0x19: {  	s7 =	sld [smem:$0x3F9F]  }
0x1a: {  	s8 =	sadd.s32 $0xFFFFE003, lr  }
0x1b: {  	s9 =	sadd.s32 $0xFFFFFEF7, lr;
	s5 =	simm.s32 $0xFFFFFFFF;
	p2 =	slt.u32 s8, $0xFFFFF086  }
0x1c: {  	p1 =	slt.u32 s9, $0xF7A;
	s5 =	simm.s32 @!p2 $0x0  }
0x1d: {  	s5 =	simm.s32 @p1 $0x1;
	p0 =	seq.s32 s7, s2  }
0x1e: {  	s7 =	smul.u32 @!p0 $0xF7A, s2;
	p2 =	seq.s32 @!p0 s5, $0x0  }
0x1f: {  	s9 =	smul.u32 $0xF7A, s1;
	s8 =	simm.s32 @!p0 $0x1BF5;
	p2 =	por !p2, p0  }
0x20: {  	[sflag:s8] =	ssyncset.s32 @!p0 $0xFFFFF086;
	s6 =	sadd.s32 @!p0 s3, s7;
	s7 =	simm.s32 @!p0 $0x108  }
0x21: {  	s3 =	sadd.s32 s3, s9;
	s6 =	sadd.s32 @!p0 $0x88, s6;
	s7 =	simm.s32 @p2 $0x1082  }
0x22: {  	[simem:s7], [sflag:s8] =	dma.local @!p0 [hbm:s6], $0xF7A  }
0x23: {  	s9 =	sor.u32 $0xD0000000, s2;
	s6 =	simm.s32 $0x108;
	_ =	swait.ge @!p0 [sflag:s8], $0x0  }
0x24: {  	s3 =	sadd.s32 $0x88, s3;
	s6 =	simm.s32 @!p1 $0x1082;
	[sflag:s4] =	ssyncset.s32 $0xFFFFF086  }
0x25: {  	[simem:s6], [sflag:s4] =	dma.local [hbm:s3], $0xF7A  }
0x26: {  	[smem:$0x3F9F] =	sst s1;
	(tag) =	ssettag s2;
	_ =	strace s9  }
0x27: {  	s1 =	sld [smem:$0x3FAF]  }
0x28: {  	s2 =	sld [smem:$0x3FB0]  }
0x29: {  	s4 =	sld [smem:$0x3FB2]  }
0x2a: {  	p0 =	seq.s32 s5, $0x0;
	s5 =	sld [smem:$0x3FB3]  }
0x2b: {  	s6 =	sld [smem:$0x3FB4]  }
0x2c: {  	s7 =	sld [smem:$0x3FB5]  }
0x2d: {  	s3 =	simm.s32 $0x108;
	s8 =	sld [smem:$0x3FB6]  }
0x2e: {  	s3 =	simm.s32 @!p0 $0x1082;
	s9 =	sld [smem:$0x3FB7]  }
0x2f: {  	lr =	sadd.s32 s0, s3;
	s0 =	sld [smem:$0x3FAE]  }
0x30: {  	s3 =	sld [smem:$0x3FB1]  }
0x31: {  	[smem:$0x3FBA] =	sst s10  }
0x32: {  	s10 =	sld [smem:$0x3FB8];
	_ =	sdelay $0x3  }
0x33: {  	p0 =	seq.s32 s10, $0x1;
	s10 =	sld [smem:$0x3FBA];
	_ =	sdelay $0x3  }
0x34: {  	[smem:$0x3FBA] =	sst s10  }
0x35: {  	s10 =	sld [smem:$0x3FB9];
	_ =	sdelay $0x3  }
0x36: {  	p1 =	seq.s32 s10, $0x1;
	s10 =	sld [smem:$0x3FBA];
	_ =	sdelay $0x3  }
0x37: {  	[smem:$0x3FBA] =	sst s10  }
0x38: {  	s10 =	sld [smem:$0x3FBB]  }
0x39: {  	_ = 	snop;
	(pc) =	sbr.ind lr, $3  }
0x3a: {  	_ = 	snop  }
0x3b: {  	_ = 	snop  }
0x3c: {  	p2 =	seq.s32 s10, $0x1;
	s10 =	sld [smem:$0x3FBA]  }
0x3d: {  	_ =	shalt  }
0x3e: {  	_ =	shalt  }
0x3f: {  	_ =	shalt  }
0x40: {  	_ =	shalt  }
0x41: {  	_ =	shalt  }
0x42: {  	_ =	shalt  }
0x43: {  	_ =	shalt  }
0x44: {  	_ =	shalt  }
0x45: {  	_ =	shalt  }
0x46: {  	_ =	shalt  }
0x47: {  	_ =	shalt  }
0x48: {  	_ =	shalt  }
0x49: {  	_ =	shalt  }
0x4a: {  	_ =	shalt  }
0x4b: {  	_ =	shalt  }
0x4c: {  	_ =	shalt  }
0x4d: {  	_ =	shalt  }
0x4e: {  	_ =	shalt  }
0x4f: {  	_ =	shalt  }
0x50: {  	_ =	shalt  }
0x51: {  	_ =	shalt  }
0x52: {  	_ =	shalt  }
0x53: {  	_ =	shalt  }
0x54: {  	_ =	shalt  }
0x55: {  	_ =	shalt  }
0x56: {  	_ =	shalt  }
0x57: {  	_ =	shalt  }
0x58: {  	_ =	shalt  }
0x59: {  	_ =	shalt  }
0x5a: {  	_ =	shalt  }
0x5b: {  	_ =	shalt  }
0x5c: {  	_ =	shalt  }
0x5d: {  	_ =	shalt  }
0x5e: {  	_ =	shalt  }
0x5f: {  	_ =	shalt  }
0x60: {  	_ =	shalt  }
0x61: {  	_ =	shalt  }
0x62: {  	_ =	shalt  }
0x63: {  	_ =	shalt  }
0x64: {  	_ =	shalt  }
0x65: {  	_ =	shalt  }
0x66: {  	_ =	shalt  }
0x67: {  	_ =	shalt  }
0x68: {  	_ =	shalt  }
0x69: {  	_ =	shalt  }
0x6a: {  	_ =	shalt  }
0x6b: {  	_ =	shalt  }
0x6c: {  	_ =	shalt  }
0x6d: {  	_ =	shalt  }
0x6e: {  	_ =	shalt  }
0x6f: {  	_ =	shalt  }
0x70: {  	_ =	shalt  }
0x71: {  	_ =	shalt  }
0x72: {  	_ =	shalt  }
0x73: {  	_ =	shalt  }
0x74: {  	_ =	shalt  }
0x75: {  	_ =	shalt  }
0x76: {  	_ =	shalt  }
0x77: {  	_ =	shalt  }
0x78: {  	_ =	shalt  }
0x79: {  	_ =	shalt  }
0x7a: {  	_ =	shalt  }
0x7b: {  	_ =	shalt  }
0x7c: {  	_ =	shalt  }
0x7d: {  	_ =	shalt  }
0x7e: {  	_ =	shalt  }
0x7f: {  	_ =	shalt  }
0x80: {  	_ =	shalt  }
0x81: {  	_ =	shalt  }
0x82: {  	_ =	shalt  }
0x83: {  	_ =	shalt  }
0x84: {  	_ =	shalt  }
0x85: {  	_ =	shalt  }
0x86: {  	_ =	shalt  }
0x87: {  	_ =	shalt  }
.Lfunc_end0:
.L_simem_size_0:
called_computation.2_lowered:
.L_overlay_start_0:
0x88: {  	s2 =	sld [smem:$0x3FD9]  }
0x89: {  	s3 =	sld [smem:$0x3FFE];
	_ =	sdelay $0x1  }
0x8a: {  	s1 =	srdreg.scid  }
0x8b: {  	s0 =	sand.u32 $0x1, s1  }
0x8c: {  	s15 =	sshll.u32 s0, $0xA;
	s2 =	sadd.s32 s3, s2  }
0x8d: {  	s2 =	sadd.s32 s2, s15  }
0x8e: {  	[smem:$0x3FC6] =	sst s2  }
0x8f: {  	_ = 	snop  }
0x90: {  	s2 =	sld [smem:$0x3FD0];
	_ =	sdelay $0x2  }
0x91: {  	s16 =	simm.s32 $0xA;
	s4 =	simm.s32 $0x10  }
0x92: {  	[smem:s4], [sflag:s16] =	dma.local [hbm:s2], $0x1  }
0x93: {  	_ =	swait.eq [sflag:s16], $0x1  }
0x94: {  	[sflag:s16] =	ssyncset.done $0x0  }
0x95: {  	s17 =	sld [smem:$0x12];
	[sflag:s16] =	ssyncadd.s32 $0xFFFFFFFF  }
0x96: {  	s18 =	sld [smem:$0x13];
	(tm) =	ssettm $0x1  }
0x97: {  	s19 =	sld [smem:$0x3FFB];
	_ =	sdelay $0x3  }
0x98: {  	_ =	strace s19  }
0x99: {  	s4 =	sld [smem:$0x3FFC];
	_ =	sdelay $0x3  }
0x9a: {  	_ =	strace s4  }
0x9b: {  	s4 =	sld [smem:$0x3FFD];
	_ =	sdelay $0x3  }
0x9c: {  	_ =	strace s4  }
0x9d: {  	_ =	strace $0x8FFFFFFF  }
0x9e: {  	s20 =	sld [smem:$0x3FDB];
	_ =	sdelay $0x1  }
0x9f: {  	s5 =	simm.s32 $_scs_section_size  }
0xa0: {  	s6 =	simm.s32 $_size__tile_overlayer_lowered;
	s7 =	simm.s32 $_tile_overlayer_lowered  }
0xa1: {  	s23 =	simm.s32 $0x1BFF;
	s22 =	sshll.u32 s7, $0x1;
	s4 =	sadd.s32 s5, s20  }
0xa2: {  	s8 =	simm.s32 $0x0;
	s21 =	sshll.u32 s6, $0x1;
	s6 =	sadd.s32 s22, s4  }
0xa3: {  	[timem:s8], [sflag:s23] =	dma.local [hbm:s6], s21  }
0xa4: {  	_ =	swait.ge [sflag:s23], s21  }
0xa5: {  	s5 =	ssub.s32 $0x0, s21;
	[sflag:s23] =	ssyncset.done $0x0  }
0xa6: {  	[sflag:s23] =	ssyncadd.s32 s5;
	_ =	sdelay $0x1  }
0xa7: {  	s24 =	simm.s32 $0x1B8B  }
0xa8: {  	_ =	swait.ge [sflag:s24], $0x1  }
0xa9: {  	[sflag:s24] =	ssyncset.done $0x0  }
0xaa: {  	s25 =	simm.s32 $0x1B8E;
	[sflag:s24] =	ssyncadd.s32 $0xFFFFFFFF  }
0xab: {  	s26 =	simm.s32 $execute0_lowered;
	[smem:$0x3FD2] =	sst s25  }
0xac: {  	s5 =	sshll.u32 s26, $0x1;
	_ =	strace $0x80000046;
	[dreg:$0x1] =	wrdreg $0xFFFFFFFF  }
0xad: {  	s28 =	simm.s32 $_size_execute0_lowered;
	s4 =	sadd.s32 s4, s5;
	[dreg:$0x0] =	wrdreg $0x0  }
0xae: {  	s5 =	sshll.u32 s28, $0x1;
	[dreg:$0x2] =	wrdreg s4  }
0xaf: {  	[dreg:$0x3] =	wrdreg s5  }
0xb0: {  	[dreg:$0x4] =	wrdreg $0xC0  }
0xb1: {  	_ =	task [dreg:s8], $0x5FFFF  }
0xb2: {  	[dreg:$0x1] =	wrdreg $0xFFFFFFFF  }
0xb3: {  	[dreg:$0x0] =	wrdreg $0x60  }
0xb4: {  	[dreg:$0x2] =	wrdreg s17  }
0xb5: {  	[dreg:$0x3] =	wrdreg s18  }
0xb6: {  	[dreg:$0x4] =	wrdreg $0x9  }
0xb7: {  	_ =	task.clear_ibuf [dreg:s8], $0x5FFFF;
	_ =	strace $0x90000046  }
0xb8: {  	s29 =	simm.s32 $0x9;
	_ =	strace $0x80000048  }
0xb9: {  	_ =	swait.ge [sflag:s29], $0x1  }
0xba: {  	[sflag:s29] =	ssyncadd.s32 $0xFFFFFFFF  }
0xbb: {  	_ =	strace $0x90000048  }
0xbc: {  	_ =	sfence  }
0xbd: {  	s30 =	sld [smem:$0x0];
	_ =	sdelay $0x2  }
0xbe: {  	s31 =	sshll.u32 s1, $0xD;
	s1 =	sshrl.u32 s1, $0x2  }
0xbf: {  	s3 =	sand.u32 $0x4000, s31;
	s1 =	sadd.s32 s1, s30  }
0xc0: {  	s0 =	sor.u32 s3, s0;
	s1 =	sshll.u32 s1, $0x11  }
0xc1: {  	s0 =	sor.u32 s1, s0  }
0xc2: {  	s0 =	sadd.s32 $0x8F2B, s0  }
0xc3: {  	[sflag:s0] =	ssyncadd.remote.s32 $0x1  }
0xc4: {  	_ =	sfence.sel $0xFFFF  }
0xc5: {  	[dreg:$0x0] =	wrdreg $0xFFFFFFFF;
	(pc) =	sbr.abs _section_cstart, $3  }
0xc6: {  	[dreg:$0x1] =	wrdreg $0xFFFFFFFF  }
0xc7: {  	_ =	task.clear_ibuf [dreg:s8], $0x2FFFF;
	_ =	strace $0x9FFFFFFF  }
0xc8: {  	(tm) =	ssettm $0x7FFFFFFF  }
0xc9: {  	_ =	shalt  }
tec
execute0_lowered:
.L_overlay_start_1:
0x0: {  	(tag) =	ssettag $0x1  }
0x1: {  	s1 =	rddreg [dreg:$0x0];
	s0 =	srdreg.scid  }
0x2: {  	s2 =	rddreg [dreg:$0x1];
	s4 =	simm.s32 $0x0;
	s3 =	stileid.u32  }
0x3: {  	s8 =	simm.s32 $0x400;
	s9 =	simm.s32 $0x1;
	s10 =	simm.s32 $0x2000  }
0x4: {  	s11 =	simm.s32 $0x2400;
	s12 =	simm.s32 $0x2800;
	s13 =	simm.s32 $0x2880  }
.Ltmp0:
0x5: {  	s14 =	simm.s32 $0x2900;
	s5 =	sand.u32 $0x1, s0;
	(pc) =	sbr.rel .LBB2_1-.Ltmp0, $4  }
0x6: {  	v0 =	vlaneseq.u32;
	s15 =	simm.s32 $0x0;
	s0 =	rddreg [dreg:$0x2];
	s6 =	ssub.s32 $0x2, s5  }
0x7: {  	[smem:$0x7FF] =	sst s4;
	s31 =	sshll.u32 s3, $0x8;
	v3 =	vmul.u32 $0xFFFFFFFF, v0;
	v1 =	vmul.u32 $0x2, v0;
	s7 =	sshrl.u32 s6, $0x1  }
0x8: {  	v2 =	vimm.s32 $0x0;
	v4 =	vimm.s32 $0x7FFFFFFF;
	s5 =	sshll.u32 s5, $0x7;
	_ =	strace $0x80000047;
	s6 =	ssub.s32 s6, s7  }
0x9: {  	s5 =	sor.u32 s5, s31;
	v3 =	vadd.s32 $0xF, v3;
	v5 =	vor.u32 $0x1, v1;
	v6 =	vadd.s32 $0x2, v1;
	s7 =	simm.s32 $0x80;
	s6 =	smax.u32 s6, $0x1  }
.LBB2_18:
0xa: {  	s15 =	sadd.s32 $0x1, s15  }
0xb: {  	p0 =	sne.s32 s15, s6  }
.Ltmp1:
0xc: {  	_ = 	snop;
	(pc) =	sbr.rel @!p0 .LBB2_19-.Ltmp1, $1  }
0xd: {  	_ =	sdelay $0x3  }
.LBB2_1:
.Ltmp2:
0xe: {  	(pc) =	sbr.rel .LBB2_2-.Ltmp2, $2  }
0xf: {  	_ =	sdelay $0x2  }
0x10: {  	s16 =	simm.s32 $0x0  }
.LBB2_7:
0x11: {  	v8 =	vimm.s32 $0x7FFFFFFF;
	v10 =	vimm.s32 $0x7FFFFFFF;
	v9 =	vimm.s32 $0x7FFFFFFF  }
.LBB2_17:
0x12: {  	[tilespmem:$0x2800] =	vst v7  }
0x13: {  	[tilespmem:$0x2810] =	vst v10  }
0x14: {  	[tilespmem:$0x2880] =	vst v8  }
0x15: {  	[tilespmem:$0x2890] =	vst v9  }
0x16: {  	[tilespmem:$0x2820] =	vst v4  }
0x17: {  	[tilespmem:$0x28A0] =	vst v4  }
0x18: {  	v7 =	vld.idx.msk [tilespmem:v1+s12+$0x0], $0xffff  }
0x19: {  	v8 =	vld.idx.msk [tilespmem:v5+s12+$0x0], $0xffff  }
0x1a: {  	v9 =	vld.idx.msk [tilespmem:v1+s13+$0x0], $0xffff  }
0x1b: {  	v10 =	vld.idx.msk [tilespmem:v5+s13+$0x0], $0xffff;
	_ =	sdelay $0x4  }
0x1c: {  	vm0 =	veq.s32 v7, v8;
	vm1 =	vgt.s32 v9, v10  }
0x1d: {  	vm0 =	vmand vm0, vm1  }
0x1e: {  	v7 =	vsel vm0, v10, v9  }
0x1f: {  	v8 =	vsel vm0, v9, v10;
	[tilespmem:v1+s13+$0x0] =	vst.idx.msk $0xffff, v7  }
0x20: {  	[tilespmem:v5+s13+$0x0] =	vst.idx.msk $0xffff, v8  }
0x21: {  	v7 =	vld.idx.msk [tilespmem:v5+s12+$0x0], $0xffff  }
0x22: {  	v8 =	vld.idx.msk [tilespmem:v6+s12+$0x0], $0xffff  }
0x23: {  	v62 =	vld.idx.msk [tilespmem:v5+s13+$0x0], $0xffff  }
0x24: {  	v63 =	vld.idx.msk [tilespmem:v6+s13+$0x0], $0xffff;
	_ =	sdelay $0x4  }
0x25: {  	vm14 =	veq.s32 v7, v8;
	vm15 =	vgt.s32 v62, v63  }
0x26: {  	vm0 =	vmand vm14, vm15  }
0x27: {  	v7 =	vsel vm0, v63, v62  }
0x28: {  	v8 =	vsel vm0, v62, v63;
	[tilespmem:v5+s13+$0x0] =	vst.idx.msk $0xffff, v7  }
0x29: {  	[tilespmem:v6+s13+$0x0] =	vst.idx.msk $0xffff, v8  }
0x2a: {  	v7 =	vld [tilespmem:$0x2880]  }
0x2b: {  	v8 =	vld [tilespmem:$0x2890];
	_ =	sdelay $0x1  }
0x2c: {  	s17 =	sshll.u32 s17, $0xA  }
0x2d: {  	s16 =	sadd.s32 $0x1, s16;
	s17 =	sor.u32 s18, s17  }
0x2e: {  	p0 =	sne.s32 s16, $0x80;
	s17 =	sshrl.u32 s17, $0x3;
	[tilespmem:$0x2900] =	vst v7  }
.Ltmp3:
0x2f: {  	s17 =	sadd.s32 s2, s17;
	[tilespmem:$0x2910] =	vst v8;
	(pc) =	sbr.rel @!p0 .LBB2_18-.Ltmp3, $4  }
0x30: {  	[hbm4b:s17+s4] =	stream.linear.scatter [tilespmem:s14], [sflag:$0x1], $0x80, $0x38;
	[tilespmem:$0x2980] =	vst v63  }
0x31: {  	_ =	swait.ge [sflag:s9], $0x80  }
0x32: {  	[sflag:s9] =	ssyncset.done $0x0  }
0x33: {  	[sflag:s9] =	ssyncadd.s32 $0xFFFFFF80  }
.LBB2_2:
0x34: {  	s17 =	sadd.s32 s5, s16  }
0x35: {  	s18 =	sshll.u32 s16, $0x7;
	s17 =	sshrl.u32 s17, $0x3  }
0x36: {  	s18 =	sand.u32 $0x380, s18;
	s19 =	sshll.u32 s17, $0xF  }
0x37: {  	s19 =	sor.u32 s18, s19  }
0x38: {  	s19 =	sshrl.u32 s19, $0x3  }
0x39: {  	s20 =	simm.s32 $0x0;
	s19 =	sadd.s32 s1, s19  }
0x3a: {  	[tilespmem:s20], [sflag:$0x1] =	stream.strided.gather [hbm4b:s19+s7], $0x1000, s8, s7, $0x38;
	[tilespmem:$0x2980] =	vst v63  }
0x3b: {  	_ =	swait.ge [sflag:s9], $0x1000  }
0x3c: {  	[sflag:s9] =	ssyncset.done $0x0  }
0x3d: {  	s19 =	simm.s32 $0x0;
	[sflag:s9] =	ssyncadd.s32 $0xFFFFF000  }
0x3e: {  	v9 =	vld [tilespmem:s19+$0x0];
	_ =	sdelay $0x3  }
0x3f: {  	v7 =	vimm.s32 $0x7FFFFFFF;
	v8 =	vimm.s32 $0x7FFFFFFF;
	s20 =	simm.s32 $0x40  }
.LBB2_3:
0x40: {  	s21 =	sshra.s32 s20, $0x2;
	p0 =	sne.s32 s20, $0x3FC0;
	s20 =	sadd.s32 $0x40, s20;
	v10 =	vshra.s32 v9, $0x1F;
	v11 =	vmov v9  }
.Ltmp4:
0x41: {  	v9 =	vld [tilespmem:s21+$0x0];
	v10 =	vand.u32 $0x7FFFFFFF, v10;
	(pc) =	sbr.rel @p0 .LBB2_3-.Ltmp4, $4  }
0x42: {  	v10 =	vxor.u32 v11, v10  }
0x43: {  	[tilespmem:s19+$0x1000] =	vst v10;
	vm0 =	vlt.s32 v10, v7;
	s19 =	smov.u32 s21  }
0x44: {  	vm1 =	vlt.s32 v10, v8;
	v7 =	vsel vm0, v10, v7  }
0x45: {  	v7 =	vsel vm1, v8, v7;
	v8 =	vsel vm1, v10, v8  }
0x46: {  	v10 =	vshra.s32 v9, $0x1F  }
0x47: {  	v10 =	vand.u32 $0x7FFFFFFF, v10  }
0x48: {  	v9 =	vxor.u32 v9, v10  }
0x49: {  	vm0 =	vlt.s32 v9, v7  }
0x4a: {  	vm1 =	vlt.s32 v9, v8;
	v7 =	vsel vm0, v9, v7  }
0x4b: {  	v7 =	vsel vm1, v8, v7  }
0x4c: {  	v7 =	vxor.u32 $0x80000000, v7  }
0x4d: {  	(xrf0) =	vmax.scan.msk.u32 $0xffff, v7;
	_ =	sdelay $0x5  }
0x4e: {  	v7, _, _ =	vpop (xrf0)  }
0x4f: {  	(v2sf) =	vpush v7, $0xF;
	_ =	sdelay $0xe  }
0x50: {  	[tilespmem:s19+$0x1000] =	vst v9;
	s19 =	simm.s32 $0x1000;
	s20 =	spop (v2sf)  }
0x51: {  	v9 =	vld [tilespmem:s19+$0x0];
	s20 =	sxor.u32 $0x80000000, s20  }
0x52: {  	s21 =	simm.s32 $0x10;
	v7 =	vimm.s32 $0x0;
	v8 =	vmov s20;
	s20 =	simm.s32 $0x0  }
.LBB2_5:
0x53: {  	p0 =	sne.s32 s21, $0xFF0;
	_ =	sdelay $0x2  }
0x54: {  	vm1 =	vlt.s32 v7, $0x40;
	vm0 =	vle.s32 v9, v8  }
0x55: {  	v10 =	vshll.u32 v7, $0x4;
	vm0 =	vmand vm1, vm0  }
0x56: {  	v10 =	vor.u32 v0, v10;
	v11 =	vsel vm0, $0x1, v2  }
0x57: {  	v7 =	vadd.s32 v11, v7;
	_ =	sdelay $0x2  }
.Ltmp5:
0x58: {  	(pc) =	sbr.rel @p0 .LBB2_5-.Ltmp5, $4  }
0x59: {  	[tilespmem:v10+s10+$0x0] =	vst.idx.msk vm0, v9;
	v9 =	vor.u32 s20, v0;
	s20 =	smov.u32 s21  }
0x5a: {  	s19 =	sadd.s32 $0x10, s19;
	[tilespmem:v10+s11+$0x0] =	vst.idx.msk vm0, v9  }
0x5b: {  	v9 =	vld [tilespmem:s19+$0x0]  }
0x5c: {  	s21 =	sadd.s32 $0x10, s21  }
0x5d: {  	_ =	sdelay $0x2  }
0x5e: {  	vm1 =	vlt.s32 v7, $0x40;
	vm0 =	vle.s32 v9, v8  }
0x5f: {  	vm0 =	vmand vm1, vm0  }
0x60: {  	v8 =	vsel vm0, $0x1, v2  }
0x61: {  	v8 =	vadd.s32 v8, v7  }
0x62: {  	v10 =	vxor.u32 $0x80000000, v8  }
0x63: {  	(xrf0) =	vmax.scan.msk.u32 $0xffff, v10;
	_ =	sdelay $0x5  }
0x64: {  	v10, _, _ =	vpop (xrf0)  }
0x65: {  	(v2sf) =	vpush v10, $0xF;
	_ =	sdelay $0xe  }
0x66: {  	v7 =	vshll.u32 v7, $0x4;
	s19 =	spop (v2sf)  }
0x67: {  	v7 =	vor.u32 v0, v7;
	s19 =	sxor.u32 $0x80000000, s19  }
0x68: {  	p0 =	slt.s32 s19, $0x1  }
.Ltmp6:
0x69: {  	_ = 	snop;
	(pc) =	sbr.rel @p0 .LBB2_7-.Ltmp6, $3  }
0x6a: {  	_ =	sdelay $0x1  }
0x6b: {  	[tilespmem:v7+s10+$0x0] =	vst.idx.msk vm0, v9;
	v10 =	vor.u32 s20, v0  }
0x6c: {  	[tilespmem:v7+s11+$0x0] =	vst.idx.msk vm0, v10;
	v7 =	vimm.s32 $0x7FFFFFFF  }
0x6d: {  	p3 =	sne.s32 s19, $0x1  }
.Ltmp7:
0x6e: {  	_ = 	snop;
	(pc) =	sbr.rel @!p3 .LBB2_9-.Ltmp7, $4  }
0x6f: {  	_ = 	snop  }
0x70: {  	s22 =	simm.s32 $0x2000  }
0x71: {  	s21 =	simm.s32 $0x0;
	s23 =	simm.s32 $0x2400;
	s20 =	simm.s32 $0x1;
	v13 =	vld [tilespmem:s22+$0x0]  }
0x72: {  	p0 =	por $0x0, $0x0;
	p1 =	por $0x0, $0x0;
	p2 =	por $0x0, $0x0;
	vm0 =	vgt.s32 v8, s21;
	v14 =	vld [tilespmem:s23+$0x0]  }
0x73: {  	_ =	sdelay $0x2  }
0x74: {  	v9 =	vxor.u32 $0x80000000, v13  }
0x75: {  	v10 =	vnsel vm0, $0x7FFFFFFF, v14;
	v9 =	vnsel vm0, $0xFFFFFFFF, v9  }
0x76: {  	(xrf1) =	vsort.ascd.msk.u32 $0xffff, v9, v10;
	_ =	sdelay $0xa  }
0x77: {  	p3 =	sne.s32 s19, $0x2  }
.Ltmp8:
0x78: {  	_ = 	snop;
	(pc) =	sbr.rel @!p3 .LBB2_11-.Ltmp8, $4  }
0x79: {  	_ = 	snop  }
0x7a: {  	s21 =	simm.s32 $0x2010;
	v9, v10, _ =	vpop (xrf1)  }
0x7b: {  	s31 =	simm.s32 $0x2410;
	v13 =	vld [tilespmem:s21+$0x0];
	v9 =	vxor.u32 $0x80000000, v9  }
0x7c: {  	p0 =	por $0x1, $0x1;
	vm0 =	vgt.s32 v8, s20;
	s20 =	simm.s32 $0x2;
	v14 =	vld [tilespmem:s31+$0x0];
	v11 =	vperm.xlane v10, v3;
	v12 =	vperm.xlane v9, v3  }
0x7d: {  	_ =	sdelay $0x2  }
0x7e: {  	vm1 =	vlt.s32 v7, v11;
	v9 =	vxor.u32 $0x80000000, v13  }
0x7f: {  	vm2 =	veq.s32 v7, v12;
	v10 =	vnsel vm0, $0x7FFFFFFF, v14;
	v9 =	vnsel vm0, $0xFFFFFFFF, v9  }
0x80: {  	vm1 =	vmand vm2, vm1;
	vm2 =	vlt.s32 v7, v12;
	(xrf1) =	vsort.ascd.msk.u32 $0xffff, v9, v10  }
0x81: {  	vm0 =	vmor vm2, vm1  }
0x82: {  	v9 =	vsel vm0, v7, v12  }
0x83: {  	v10 =	vsel vm0, v7, v11;
	v9 =	vxor.u32 $0x80000000, v9  }
0x84: {  	(xrf1) =	vsort.ascd.msk.u32 $0xffff, v9, v10;
	_ =	sdelay $0x8  }
0x85: {  	p3 =	sne.s32 s19, $0x3;
	v9 =	vsel vm0, v12, v7  }
.Ltmp9:
0x86: {  	v9 =	vxor.u32 $0x80000000, v9;
	v10, v12, _ =	vpop (xrf1);
	(pc) =	sbr.rel @!p3 .LBB2_13-.Ltmp9, $4  }
0x87: {  	v10 =	vxor.u32 $0x80000000, v10  }
0x88: {  	s21 =	simm.s32 $0x2020  }
0x89: {  	s31 =	simm.s32 $0x2420;
	v13 =	vld [tilespmem:s21+$0x0];
	v11 =	vsel vm0, v11, v7  }
0x8a: {  	s22 =	simm.s32 $0x3;
	p1 =	por $0x1, $0x1;
	v14 =	vld [tilespmem:s31+$0x0];
	vm0 =	vgt.s32 v8, s20;
	(xrf1) =	vsort.ascd.msk.u32 $0xffff, v9, v11;
	v11 =	vperm.xlane v12, v3;
	v12 =	vperm.xlane v10, v3;
	v10, v9, _ =	vpop (xrf1)  }
0x8b: {  	_ =	sdelay $0x4  }
0x8c: {  	v15 =	vxor.u32 $0x80000000, v10;
	vm1 =	vlt.s32 v9, v11  }
0x8d: {  	vm2 =	veq.s32 v15, v12;
	vm3 =	vlt.s32 v15, v12;
	v13 =	vxor.u32 $0x80000000, v13  }
0x8e: {  	vm1 =	vmand vm2, vm1;
	v14 =	vnsel vm0, $0x7FFFFFFF, v14;
	v13 =	vnsel vm0, $0xFFFFFFFF, v13  }
0x8f: {  	vm0 =	vmor vm3, vm1;
	(xrf1) =	vsort.ascd.msk.u32 $0xffff, v13, v14  }
0x90: {  	v13 =	vsel vm0, v15, v12;
	v14 =	vsel vm0, v9, v11  }
0x91: {  	v13 =	vxor.u32 $0x80000000, v13;
	_ =	sdelay $0x2  }
0x92: {  	(xrf1) =	vsort.ascd.msk.u32 $0xffff, v13, v14;
	v13, v14, _ =	vpop (xrf1)  }
0x93: {  	v13 =	vxor.u32 $0x80000000, v13  }
0x94: {  	v12 =	vsel vm0, v12, v15;
	v14 =	vperm.xlane v14, v3;
	v13 =	vperm.xlane v13, v3  }
0x95: {  	v11 =	vsel vm0, v11, v9;
	v12 =	vxor.u32 $0x80000000, v12  }
0x96: {  	(xrf1) =	vsort.ascd.msk.u32 $0xffff, v12, v11;
	vm2 =	vlt.s32 v7, v14;
	vm1 =	veq.s32 v7, v13  }
0x97: {  	vm3 =	vlt.s32 v7, v13;
	vm1 =	vmand vm1, vm2  }
0x98: {  	vm1 =	vmor vm3, vm1  }
0x99: {  	v13 =	vsel vm1, v7, v13  }
0x9a: {  	v11 =	vsel vm1, v7, v14;
	v12 =	vxor.u32 $0x80000000, v13  }
0x9b: {  	v15, v16, _ =	vpop (xrf1);
	(xrf1) =	vsort.ascd.msk.u32 $0xffff, v12, v11;
	_ =	sdelay $0x2  }
0x9c: {  	s20 =	simm.s32 $0x2030;
	p3 =	sne.s32 s19, $0x4  }
.Ltmp10:
0x9d: {  	s21 =	simm.s32 $0x2430;
	v15 =	vxor.u32 $0x80000000, v15;
	v13 =	vld [tilespmem:s20+$0x0];
	(pc) =	sbr.rel @!p3 .LBB2_16-.Ltmp10, $3  }
0x9e: {  	v14 =	vld [tilespmem:s21+$0x0];
	_ =	sdelay $0x1  }
0x9f: {  	v11 =	vperm.xlane v16, v3  }
0xa0: {  	p2 =	por $0x1, $0x1;
	vm0 =	vgt.s32 v8, s22;
	s22 =	simm.s32 $0x4;
	v12 =	vperm.xlane v15, v3;
	v16, v15, _ =	vpop (xrf1)  }
.LBB2_15:
0xa1: {  	v13 =	vxor.u32 $0x80000000, v13;
	vm1 =	vlt.s32 v15, v11;
	v16 =	vxor.u32 $0x80000000, v16;
	v17, v18, _ =	vpop (xrf1);
	s23 =	smov.u32 s22;
	s22 =	sadd.s32 $0x1, s22  }
0xa2: {  	p3 =	sne.s32 s19, s22;
	v14 =	vnsel vm0, $0x7FFFFFFF, v14;
	v13 =	vnsel vm0, $0xFFFFFFFF, v13;
	vm0 =	veq.s32 v16, v12  }
0xa3: {  	vm2 =	vlt.s32 v16, v12;
	(xrf1) =	vsort.ascd.msk.u32 $0xffff, v13, v14;
	vm1 =	vmand vm0, vm1;
	v13 =	vxor.u32 $0x80000000, v17  }
0xa4: {  	vm0 =	vgt.s32 v8, s23;
	vm1 =	vmor vm2, vm1;
	v13 =	vperm.xlane v13, v3  }
0xa5: {  	v14 =	vsel vm1, v16, v12;
	v17 =	vsel vm1, v15, v11;
	v11 =	vsel vm1, v11, v15  }
0xa6: {  	v12 =	vsel vm1, v12, v16;
	v15 =	vperm.xlane v18, v3;
	v14 =	vxor.u32 $0x80000000, v14;
	v18, v16, _ =	vpop (xrf1)  }
0xa7: {  	v12 =	vxor.u32 $0x80000000, v12;
	(xrf1) =	vsort.ascd.msk.u32 $0xffff, v14, v17;
	v14 =	vxor.u32 $0x80000000, v18  }
0xa8: {  	vm2 =	vlt.s32 v16, v15;
	(xrf1) =	vsort.ascd.msk.u32 $0xffff, v12, v11;
	vm1 =	veq.s32 v14, v13  }
0xa9: {  	vm3 =	vlt.s32 v14, v13;
	vm1 =	vmand vm1, vm2  }
0xaa: {  	vm1 =	vmor vm3, vm1  }
0xab: {  	v11 =	vsel vm1, v14, v13  }
0xac: {  	v12 =	vsel vm1, v16, v15;
	v11 =	vxor.u32 $0x80000000, v11  }
0xad: {  	(xrf1) =	vsort.ascd.msk.u32 $0xffff, v11, v12;
	_ =	sdelay $0x2  }
0xae: {  	s20 =	sadd.s32 $0x10, s20  }
.Ltmp11:
0xaf: {  	s21 =	sadd.s32 $0x10, s21;
	v13 =	vld [tilespmem:s20+$0x0];
	v11, v12, _ =	vpop (xrf1);
	(pc) =	sbr.rel @p3 .LBB2_15-.Ltmp11, $3  }
0xb0: {  	v14 =	vld [tilespmem:s21+$0x0];
	v17 =	vxor.u32 $0x80000000, v11;
	v11 =	vperm.xlane v12, v3  }
0xb1: {  	v12 =	vperm.xlane v17, v3;
	_ =	sdelay $0x1  }
0xb2: {  	v16, v15, _ =	vpop (xrf1)  }
.LBB2_16:
0xb3: {  	_ = 	snop  }
0xb4: {  	v8 =	vxor.u32 @p1 $0x80000000, v16  }
0xb5: {  	vm1 =	vlt.s32 @p0 v15, v11;
	v8 =	vpsel p1, v8, v7  }
0xb6: {  	v13 =	vxor.u32 $0x80000000, v13;
	v16, v17, _ =	vpop @p1 (xrf1);
	v14 =	vnsel vm0, $0x7FFFFFFF, v14;
	vm2 =	veq.s32 @p0 v8, v12  }
0xb7: {  	v16 =	vxor.u32 @p1 $0x80000000, v16;
	vm1 =	vmand @p0 vm2, vm1;
	vm2 =	vlt.s32 @p0 v8, v12  }
0xb8: {  	v13 =	vnsel vm0, $0xFFFFFFFF, v13;
	v17 =	vperm.xlane @p1 v17, v3;
	vm1 =	vmor @p0 vm2, vm1;
	v19, v20, _ =	vpop @p2 (xrf1)  }
0xb9: {  	v16 =	vperm.xlane @p1 v16, v3;
	v18 =	vsel @p0 vm1, v8, v12;
	v19 =	vxor.u32 @p2 $0x80000000, v19  }
0xba: {  	(xrf1) =	vsort.ascd.msk.u32 $0xffff, v13, v14;
	v13 =	vxor.u32 @p0 $0x80000000, v18;
	v18 =	vpsel p2, v20, v7;
	v14 =	vpsel p2, v19, v7  }
0xbb: {  	v21 =	vsel @p0 vm1, v15, v11;
	vm2 =	vlt.s32 @p1 v18, v17;
	vm0 =	veq.s32 @p1 v14, v16  }
0xbc: {  	v8 =	vsel @p0 vm1, v12, v8;
	(xrf1) =	vsort.ascd.msk.u32 @p0 $0xffff, v13, v21;
	vm0 =	vmand @p1 vm0, vm2;
	vm2 =	vlt.s32 @p1 v14, v16  }
0xbd: {  	v11 =	vsel @p0 vm1, v11, v15;
	v8 =	vxor.u32 @p0 $0x80000000, v8;
	vm0 =	vmor @p1 vm2, vm0  }
0xbe: {  	(xrf1) =	vsort.ascd.msk.u32 @p0 $0xffff, v8, v11;
	v12 =	vsel @p1 vm0, v14, v16  }
0xbf: {  	v8 =	vsel @p1 vm0, v18, v17;
	v11 =	vxor.u32 @p1 $0x80000000, v12  }
0xc0: {  	(xrf1) =	vsort.ascd.msk.u32 @p1 $0xffff, v11, v8;
	_ =	sdelay $0x8  }
0xc1: {  	v8, v11, _ =	vpop (xrf1)  }
0xc2: {  	v12, v13, _ =	vpop @p0 (xrf1)  }
0xc3: {  	v8 =	vxor.u32 $0x80000000, v8;
	v11 =	vperm.xlane v11, v3;
	v10 =	vpsel p0, v12, v10  }
0xc4: {  	v8 =	vperm.xlane v8, v3;
	v9 =	vpsel p0, v13, v9;
	v12, v13, _ =	vpop @p0 (xrf1);
	v10 =	vxor.u32 @p0 $0x80000000, v10  }
0xc5: {  	vm10 =	vlt.s32 v9, v11;
	v12 =	vxor.u32 @p0 $0x80000000, v12;
	v10 =	vpsel p0, v10, v7  }
0xc6: {  	v13 =	vperm.xlane @p0 v13, v3;
	v12 =	vperm.xlane @p0 v12, v3;
	vm11 =	veq.s32 v10, v8;
	v14, v15, _ =	vpop @p1 (xrf1)  }
0xc7: {  	vm12 =	vlt.s32 v10, v8;
	vm0 =	vmand vm11, vm10;
	v14 =	vxor.u32 @p1 $0x80000000, v14  }
0xc8: {  	vm0 =	vmor vm12, vm0;
	v15 =	vpsel p1, v15, v7;
	v14 =	vpsel p1, v14, v7  }
0xc9: {  	v63 =	vsel vm0, v10, v8;
	vm2 =	vlt.s32 @p0 v15, v13;
	vm1 =	veq.s32 @p0 v14, v12  }
0xca: {  	v8 =	vsel vm0, v8, v10;
	vm1 =	vmand @p0 vm1, vm2;
	vm2 =	vlt.s32 @p0 v14, v12  }
0xcb: {  	v10 =	vsel vm0, v9, v11;
	v16 =	vxor.u32 $0x80000000, v63;
	vm1 =	vmor @p0 vm2, vm1  }
0xcc: {  	v9 =	vsel vm0, v11, v9;
	v8 =	vxor.u32 $0x80000000, v8;
	(xrf1) =	vsort.ascd.msk.u32 $0xffff, v16, v10;
	v10 =	vsel @p0 vm1, v14, v12  }
0xcd: {  	(xrf1) =	vsort.ascd.msk.u32 $0xffff, v8, v9;
	v8 =	vsel @p0 vm1, v15, v13;
	v9 =	vxor.u32 @p0 $0x80000000, v10  }
0xce: {  	(xrf1) =	vsort.ascd.msk.u32 @p0 $0xffff, v9, v8;
	_ =	sdelay $0xb  }
0xcf: {  	v9, v8, _ =	vpop (xrf1)  }
0xd0: {  	v10, v11, _ =	vpop (xrf1)  }
0xd1: {  	v10 =	vxor.u32 $0x80000000, v10;
	v12, v13, _ =	vpop @p0 (xrf1)  }
0xd2: {  	v11 =	vperm.xlane v11, v3;
	v10 =	vperm.xlane v10, v3;
	v12 =	vxor.u32 @p0 $0x80000000, v12  }
0xd3: {  	v12 =	vpsel p0, v12, v7;
	v7 =	vpsel p0, v13, v7  }
0xd4: {  	vm13 =	veq.s32 v12, v10;
	vm14 =	vlt.s32 v7, v11  }
0xd5: {  	vm15 =	vlt.s32 v12, v10;
	vm0 =	vmand vm13, vm14  }
0xd6: {  	vm0 =	vmor vm15, vm0  }
0xd7: {  	v10 =	vsel vm0, v12, v10  }
0xd8: {  	v7 =	vsel vm0, v7, v11;
	v10 =	vxor.u32 $0x80000000, v10  }
0xd9: {  	(xrf1) =	vsort.ascd.msk.u32 $0xffff, v10, v7;
	_ =	sdelay $0xa  }
.Ltmp12:
0xda: {  	_ = 	snop;
	(pc) =	sbr.rel .LBB2_17-.Ltmp12, $3  }
0xdb: {  	_ =	sdelay $0x1  }
0xdc: {  	v7 =	vxor.u32 $0x80000000, v9;
	v10, v9, _ =	vpop (xrf1)  }
0xdd: {  	v10 =	vxor.u32 $0x80000000, v10  }
.LBB2_9:
.Ltmp13:
0xde: {  	(pc) =	sbr.rel .LBB2_16-.Ltmp13, $2  }
0xdf: {  	_ =	sdelay $0x2  }
0xe0: {  	v15 =	vimm.s32 $0x7FFFFFFF;
	v9 =	vimm.s32 $0x7FFFFFFF  }
.LBB2_11:
.Ltmp14:
0xe1: {  	(pc) =	sbr.rel .LBB2_16-.Ltmp14, $2  }
0xe2: {  	_ =	sdelay $0x2  }
0xe3: {  	v15 =	vimm.s32 $0x7FFFFFFF;
	v9 =	vimm.s32 $0x7FFFFFFF  }
.LBB2_13:
.Ltmp15:
0xe4: {  	(pc) =	sbr.rel .LBB2_16-.Ltmp15, $2  }
0xe5: {  	_ =	sdelay $0x2  }
0xe6: {  	v15 =	vmov v9;
	v16 =	vmov v10  }
.LBB2_19:
0xe7: {  	_ =	sfence.sel $0x180000  }
0xe8: {  	[bflag:$0x0] =	sbarrier.arrive $0xFFFF  }
0xe9: {  	p0 =	sne.s32 s3, $0x0;
	_ =	strace $0x90000047  }
0xea: {  	s0 =	sadd.s32 @!p0 $0x100000, s0;
	[bflag:$0x2] =	sbarrier.arrive $0xFFFF  }
0xeb: {  	[sflag:s0] =	ssyncadd.tile.s32 @!p0 $0x1;
	_ =	shalt  }
.Lfunc_end2:
_tile_overlayer_lowered:
.L_overlay_start_2:
0xec: {  	(tag) =	ssettag $0x2  }
0xed: {  	s0 =	rddreg [dreg:$0x0];
	s2 =	stileid.u32  }
0xee: {  	s1 =	rddreg [dreg:$0x1];
	p0 =	sne.s32 s2, $0x0  }
0xef: {  	s3 =	rddreg [dreg:$0x2];
	[bflag:$0x3] =	sbarrier.arrive $0xFFFF;
	s2 =	simm.s32 @!p0 $0x1C01  }
0xf0: {  	[timem:s3], [sflag:s2] =	dma.local @!p0 [hbm:s0], s1  }
0xf1: {  	s0 =	simm.s32 @!p0 $0x1  }
0xf2: {  	_ =	swait.ge @!p0 [sflag:s0], s1  }
0xf3: {  	s1 =	ssub.s32 @!p0 $0x0, s1;
	[sflag:s0] =	ssyncset.done @!p0 $0x0  }
0xf4: {  	[sflag:s0] =	ssyncadd.s32 @!p0 s1  }
0xf5: {  	[bflag:$0x3] =	sbarrier.arrive $0xFFFF  }
0xf6: {  	_ =	shalt  }

// kernel: kernel.9.cloned.1.call-start
scs
__scs_entry_jumppad:
0x0: {  	(pc) =	sbr.rel $0x88, $3  }
0x1: {  	(tag) =	ssettag $0x0;
	lr =	simm.s32 $0x1  }
0x2: {  	[smem:$0x3F9F] =	sst lr;
	_ =	strace $0xD0000000  }
0x3: {  	_ = 	snop  }
0x4: {  	_ = 	snop  }
0x5: {  	_ = 	snop  }
0x6: {  	_ = 	snop  }
0x7: {  	_ = 	snop  }
__scs_overlays_trampoline_lowered:
0x8: {  	[smem:$0x3FAE] =	sst s0  }
0x9: {  	[smem:$0x3FAF] =	sst s1  }
0xa: {  	[smem:$0x3FB0] =	sst s2  }
0xb: {  	[smem:$0x3FB1] =	sst s3  }
0xc: {  	[smem:$0x3FB2] =	sst s4  }
0xd: {  	[smem:$0x3FB3] =	sst s5  }
0xe: {  	[smem:$0x3FB4] =	sst s6  }
0xf: {  	[smem:$0x3FB5] =	sst s7  }
0x10: {  	[smem:$0x3FB6] =	sst s8  }
0x11: {  	[smem:$0x3FB7] =	sst s9;
	s0 =	simm.s32 @!p0 $0x0  }
0x12: {  	s1 =	sld [smem:$0x3F9D];
	s0 =	simm.s32 @p0 $0x1  }
0x13: {  	[smem:$0x3FB8] =	sst s0;
	s0 =	simm.s32 @!p1 $0x0  }
0x14: {  	s2 =	sld [smem:$0x3F9C];
	s0 =	simm.s32 @p1 $0x1  }
0x15: {  	[smem:$0x3FB9] =	sst s0;
	s0 =	simm.s32 @!p2 $0x0  }
0x16: {  	s3 =	sld [smem:$0x3FDB];
	s0 =	simm.s32 @p2 $0x1  }
0x17: {  	s4 =	simm.s32 $0x1BF5;
	[smem:$0x3FBB] =	sst s0  }
0x18: {  	s0 =	sld [smem:$0x3F9E];
	_ =	swait.ge [sflag:s4], $0x0  }
0x19: {  	s7 =	sld [smem:$0x3F9F]  }
0x1a: {  	s8 =	sadd.s32 $0xFFFFE003, lr  }
0x1b: {  	s9 =	sadd.s32 $0xFFFFFEF7, lr;
	s5 =	simm.s32 $0xFFFFFFFF;
	p2 =	slt.u32 s8, $0xFFFFF086  }
0x1c: {  	p1 =	slt.u32 s9, $0xF7A;
	s5 =	simm.s32 @!p2 $0x0  }
0x1d: {  	s5 =	simm.s32 @p1 $0x1;
	p0 =	seq.s32 s7, s2  }
0x1e: {  	s7 =	smul.u32 @!p0 $0xF7A, s2;
	p2 =	seq.s32 @!p0 s5, $0x0  }
0x1f: {  	s9 =	smul.u32 $0xF7A, s1;
	s8 =	simm.s32 @!p0 $0x1BF5;
	p2 =	por !p2, p0  }
0x20: {  	[sflag:s8] =	ssyncset.s32 @!p0 $0xFFFFF086;
	s6 =	sadd.s32 @!p0 s3, s7;
	s7 =	simm.s32 @!p0 $0x108  }
0x21: {  	s3 =	sadd.s32 s3, s9;
	s6 =	sadd.s32 @!p0 $0x88, s6;
	s7 =	simm.s32 @p2 $0x1082  }
0x22: {  	[simem:s7], [sflag:s8] =	dma.local @!p0 [hbm:s6], $0xF7A  }
0x23: {  	s9 =	sor.u32 $0xD0000000, s2;
	s6 =	simm.s32 $0x108;
	_ =	swait.ge @!p0 [sflag:s8], $0x0  }
0x24: {  	s3 =	sadd.s32 $0x88, s3;
	s6 =	simm.s32 @!p1 $0x1082;
	[sflag:s4] =	ssyncset.s32 $0xFFFFF086  }
0x25: {  	[simem:s6], [sflag:s4] =	dma.local [hbm:s3], $0xF7A  }
0x26: {  	[smem:$0x3F9F] =	sst s1;
	(tag) =	ssettag s2;
	_ =	strace s9  }
0x27: {  	s1 =	sld [smem:$0x3FAF]  }
0x28: {  	s2 =	sld [smem:$0x3FB0]  }
0x29: {  	s4 =	sld [smem:$0x3FB2]  }
0x2a: {  	p0 =	seq.s32 s5, $0x0;
	s5 =	sld [smem:$0x3FB3]  }
0x2b: {  	s6 =	sld [smem:$0x3FB4]  }
0x2c: {  	s7 =	sld [smem:$0x3FB5]  }
0x2d: {  	s3 =	simm.s32 $0x108;
	s8 =	sld [smem:$0x3FB6]  }
0x2e: {  	s3 =	simm.s32 @!p0 $0x1082;
	s9 =	sld [smem:$0x3FB7]  }
0x2f: {  	lr =	sadd.s32 s0, s3;
	s0 =	sld [smem:$0x3FAE]  }
0x30: {  	s3 =	sld [smem:$0x3FB1]  }
0x31: {  	[smem:$0x3FBA] =	sst s10  }
0x32: {  	s10 =	sld [smem:$0x3FB8];
	_ =	sdelay $0x3  }
0x33: {  	p0 =	seq.s32 s10, $0x1;
	s10 =	sld [smem:$0x3FBA];
	_ =	sdelay $0x3  }
0x34: {  	[smem:$0x3FBA] =	sst s10  }
0x35: {  	s10 =	sld [smem:$0x3FB9];
	_ =	sdelay $0x3  }
0x36: {  	p1 =	seq.s32 s10, $0x1;
	s10 =	sld [smem:$0x3FBA];
	_ =	sdelay $0x3  }
0x37: {  	[smem:$0x3FBA] =	sst s10  }
0x38: {  	s10 =	sld [smem:$0x3FBB]  }
0x39: {  	_ = 	snop;
	(pc) =	sbr.ind lr, $3  }
0x3a: {  	_ = 	snop  }
0x3b: {  	_ = 	snop  }
0x3c: {  	p2 =	seq.s32 s10, $0x1;
	s10 =	sld [smem:$0x3FBA]  }
0x3d: {  	_ =	shalt  }
0x3e: {  	_ =	shalt  }
0x3f: {  	_ =	shalt  }
0x40: {  	_ =	shalt  }
0x41: {  	_ =	shalt  }
0x42: {  	_ =	shalt  }
0x43: {  	_ =	shalt  }
0x44: {  	_ =	shalt  }
0x45: {  	_ =	shalt  }
0x46: {  	_ =	shalt  }
0x47: {  	_ =	shalt  }
0x48: {  	_ =	shalt  }
0x49: {  	_ =	shalt  }
0x4a: {  	_ =	shalt  }
0x4b: {  	_ =	shalt  }
0x4c: {  	_ =	shalt  }
0x4d: {  	_ =	shalt  }
0x4e: {  	_ =	shalt  }
0x4f: {  	_ =	shalt  }
0x50: {  	_ =	shalt  }
0x51: {  	_ =	shalt  }
0x52: {  	_ =	shalt  }
0x53: {  	_ =	shalt  }
0x54: {  	_ =	shalt  }
0x55: {  	_ =	shalt  }
0x56: {  	_ =	shalt  }
0x57: {  	_ =	shalt  }
0x58: {  	_ =	shalt  }
0x59: {  	_ =	shalt  }
0x5a: {  	_ =	shalt  }
0x5b: {  	_ =	shalt  }
0x5c: {  	_ =	shalt  }
0x5d: {  	_ =	shalt  }
0x5e: {  	_ =	shalt  }
0x5f: {  	_ =	shalt  }
0x60: {  	_ =	shalt  }
0x61: {  	_ =	shalt  }
0x62: {  	_ =	shalt  }
0x63: {  	_ =	shalt  }
0x64: {  	_ =	shalt  }
0x65: {  	_ =	shalt  }
0x66: {  	_ =	shalt  }
0x67: {  	_ =	shalt  }
0x68: {  	_ =	shalt  }
0x69: {  	_ =	shalt  }
0x6a: {  	_ =	shalt  }
0x6b: {  	_ =	shalt  }
0x6c: {  	_ =	shalt  }
0x6d: {  	_ =	shalt  }
0x6e: {  	_ =	shalt  }
0x6f: {  	_ =	shalt  }
0x70: {  	_ =	shalt  }
0x71: {  	_ =	shalt  }
0x72: {  	_ =	shalt  }
0x73: {  	_ =	shalt  }
0x74: {  	_ =	shalt  }
0x75: {  	_ =	shalt  }
0x76: {  	_ =	shalt  }
0x77: {  	_ =	shalt  }
0x78: {  	_ =	shalt  }
0x79: {  	_ =	shalt  }
0x7a: {  	_ =	shalt  }
0x7b: {  	_ =	shalt  }
0x7c: {  	_ =	shalt  }
0x7d: {  	_ =	shalt  }
0x7e: {  	_ =	shalt  }
0x7f: {  	_ =	shalt  }
0x80: {  	_ =	shalt  }
0x81: {  	_ =	shalt  }
0x82: {  	_ =	shalt  }
0x83: {  	_ =	shalt  }
0x84: {  	_ =	shalt  }
0x85: {  	_ =	shalt  }
0x86: {  	_ =	shalt  }
0x87: {  	_ =	shalt  }
.Lfunc_end0:
.L_simem_size_0:
called_computation.3_lowered:
.L_overlay_start_0:
0x88: {  	s2 =	sld [smem:$0x3FD9]  }
0x89: {  	s3 =	sld [smem:$0x3FFE];
	_ =	sdelay $0x1  }
0x8a: {  	s1 =	srdreg.scid  }
0x8b: {  	s0 =	sand.u32 $0x1, s1  }
0x8c: {  	s14 =	sshll.u32 s0, $0xA;
	s2 =	sadd.s32 s3, s2  }
0x8d: {  	s2 =	sadd.s32 s2, s14  }
0x8e: {  	[smem:$0x3FC6] =	sst s2  }
0x8f: {  	_ = 	snop  }
0x90: {  	s2 =	sld [smem:$0x3FD0];
	_ =	sdelay $0x2  }
0x91: {  	s4 =	simm.s32 $0xA;
	s5 =	simm.s32 $0x10;
	s15 =	sld [smem:$0x3FC8]  }
0x92: {  	[smem:s5], [sflag:s4] =	dma.local [hbm:s2], $0x1  }
0x93: {  	_ =	swait.eq [sflag:s4], $0x1  }
0x94: {  	s16 =	sld [smem:$0x10]  }
0x95: {  	s17 =	sld [smem:$0x11];
	[sflag:s4] =	ssyncset.done $0x0  }
0x96: {  	s6 =	sld [smem:$0x12];
	[sflag:s4] =	ssyncadd.s32 $0xFFFFFFFF  }
0x97: {  	s18 =	sld [smem:$0x13];
	(tm) =	ssettm $0x1  }
0x98: {  	s7 =	sld [smem:$0x3FFB];
	_ =	sdelay $0x3  }
0x99: {  	_ =	strace s7  }
0x9a: {  	s7 =	sld [smem:$0x3FFC];
	_ =	sdelay $0x3  }
0x9b: {  	_ =	strace s7  }
0x9c: {  	s7 =	sld [smem:$0x3FFD];
	_ =	sdelay $0x3  }
0x9d: {  	_ =	strace s7  }
0x9e: {  	_ =	strace $0x8FFFFFFF  }
0x9f: {  	s19 =	sld [smem:$0x3FDB];
	_ =	sdelay $0x1  }
0xa0: {  	s8 =	simm.s32 $_scs_section_size  }
0xa1: {  	s9 =	simm.s32 $_size__tile_overlayer_lowered;
	s10 =	simm.s32 $_tile_overlayer_lowered  }
0xa2: {  	s22 =	simm.s32 $0x1BFF;
	s21 =	sshll.u32 s10, $0x1;
	s7 =	sadd.s32 s8, s19  }
0xa3: {  	s11 =	simm.s32 $0x0;
	s20 =	sshll.u32 s9, $0x1;
	s9 =	sadd.s32 s21, s7  }
0xa4: {  	[timem:s11], [sflag:s22] =	dma.local [hbm:s9], s20  }
0xa5: {  	_ =	swait.ge [sflag:s22], s20  }
0xa6: {  	s8 =	ssub.s32 $0x0, s20;
	[sflag:s22] =	ssyncset.done $0x0  }
0xa7: {  	[sflag:s22] =	ssyncadd.s32 s8;
	_ =	sdelay $0x1  }
0xa8: {  	s23 =	simm.s32 $0x1B8B  }
0xa9: {  	_ =	swait.ge [sflag:s23], $0x1  }
0xaa: {  	[sflag:s23] =	ssyncset.done $0x0  }
0xab: {  	s25 =	simm.s32 $0x1B8E;
	s24 =	sld [smem:$0x3FFE];
	[sflag:s23] =	ssyncadd.s32 $0xFFFFFFFF  }
0xac: {  	s26 =	simm.s32 $execute0_lowered;
	[smem:$0x3FD2] =	sst s25  }
0xad: {  	s9 =	sshll.u32 s26, $0x1;
	_ =	strace $0x80000049;
	[dreg:$0x1] =	wrdreg $0xFFFFFFFF  }
0xae: {  	s28 =	simm.s32 $_size_execute0_lowered;
	s7 =	sadd.s32 s7, s9;
	[dreg:$0x0] =	wrdreg $0x0  }
0xaf: {  	s9 =	sshll.u32 s28, $0x1;
	[dreg:$0x2] =	wrdreg s7  }
0xb0: {  	[dreg:$0x3] =	wrdreg s9  }
0xb1: {  	[dreg:$0x4] =	wrdreg $0xC0  }
0xb2: {  	_ =	task [dreg:s11], $0x5FFFF  }
0xb3: {  	[dreg:$0x1] =	wrdreg $0xFFFFFFFF  }
0xb4: {  	[dreg:$0x0] =	wrdreg $0x60  }
0xb5: {  	[dreg:$0x2] =	wrdreg s15  }
0xb6: {  	[dreg:$0x3] =	wrdreg s24  }
0xb7: {  	[dreg:$0x4] =	wrdreg s6  }
0xb8: {  	[dreg:$0x5] =	wrdreg s17  }
0xb9: {  	[dreg:$0x6] =	wrdreg s18  }
0xba: {  	[dreg:$0x7] =	wrdreg s16  }
0xbb: {  	[dreg:$0x8] =	wrdreg $0x9  }
0xbc: {  	_ =	task.clear_ibuf [dreg:s11], $0x9FFFF;
	_ =	strace $0x90000049  }
0xbd: {  	s29 =	simm.s32 $0x9;
	_ =	strace $0x8000004B  }
0xbe: {  	_ =	swait.ge [sflag:s29], $0x1  }
0xbf: {  	[sflag:s29] =	ssyncadd.s32 $0xFFFFFFFF  }
0xc0: {  	_ =	strace $0x9000004B  }
0xc1: {  	_ =	sfence  }
0xc2: {  	s30 =	sld [smem:$0x0];
	_ =	sdelay $0x2  }
0xc3: {  	s31 =	sshll.u32 s1, $0xD;
	s1 =	sshrl.u32 s1, $0x2  }
0xc4: {  	s3 =	sand.u32 $0x4000, s31;
	s1 =	sadd.s32 s1, s30  }
0xc5: {  	s0 =	sor.u32 s3, s0;
	s1 =	sshll.u32 s1, $0x11  }
0xc6: {  	s0 =	sor.u32 s1, s0  }
0xc7: {  	s0 =	sadd.s32 $0x8F2B, s0  }
0xc8: {  	[sflag:s0] =	ssyncadd.remote.s32 $0x1  }
0xc9: {  	_ =	sfence.sel $0xFFFF  }
0xca: {  	[dreg:$0x0] =	wrdreg $0xFFFFFFFF;
	(pc) =	sbr.abs _section_cstart, $3  }
0xcb: {  	[dreg:$0x1] =	wrdreg $0xFFFFFFFF  }
0xcc: {  	_ =	task.clear_ibuf [dreg:s11], $0x2FFFF;
	_ =	strace $0x9FFFFFFF  }
0xcd: {  	(tm) =	ssettm $0x7FFFFFFF  }
tec
execute0_lowered:
.L_overlay_start_1:
0x0: {  	(tag) =	ssettag $0x1  }
0x1: {  	s0 =	rddreg [dreg:$0x0]  }
0x2: {  	s1 =	rddreg [dreg:$0x1]  }
0x3: {  	s2 =	rddreg [dreg:$0x2]  }
0x4: {  	s3 =	rddreg [dreg:$0x3];
	s5 =	srdreg.scid  }
0x5: {  	s21 =	stileid.u32;
	s4 =	rddreg [dreg:$0x4]  }
0x6: {  	s9 =	rddreg [dreg:$0x5];
	s16 =	simm.s32 $0x1000;
	s17 =	simm.s32 $0x1  }
0x7: {  	s18 =	simm.s32 $0x5000;
	s19 =	simm.s32 $0x5400;
	s28 =	simm.s32 $0x0  }
0x8: {  	s6 =	sand.u32 $0x1, s5;
	s20 =	sshll.u32 s21, $0x1;
	s10 =	sshrl.u32 s21, $0x2  }
0x9: {  	s5 =	simm.s32 $0x0;
	p0 =	sgt.u32 s21, $0xB;
	s21 =	simm.s32 $0x5200  }
0xa: {  	s8 =	sor.u32 s6, s20;
	s22 =	sshll.u32 s10, $0xF;
	[smem:$0x7FF] =	sst s5  }
0xb: {  	s12 =	ssub.s32 $0x2, s6;
	s6 =	sadd.s32 $0x2E00, s1;
	s26 =	sshll.u32 s10, $0xC  }
0xc: {  	s10 =	sshll.u32 s10, $0x11;
	s20 =	simm.s32 $0x9400;
	s7 =	sshll.u32 s8, $0x7  }
0xd: {  	_ =	strace $0x8000004A;
	s14 =	sshrl.u32 s12, $0x1;
	s15 =	smul.u32 $0x56, s8  }
0xe: {  	s8 =	sshll.u32 s8, $0x2;
	s11 =	sand.u32 $0x380, s7;
	s23 =	ssub.s32 s12, s14  }
0xf: {  	s7 =	sor.u32 s22, s11;
	s24 =	sshll.u32 s15, $0x3;
	s25 =	sshrl.u32 s15, $0x4  }
0x10: {  	s15 =	sor.u32 s26, s11;
	s30 =	sor.u32 s10, s11;
	s22 =	simm.s32 $0x0  }
0x11: {  	s7 =	sshrl.u32 s7, $0x3;
	s12 =	sand.u32 $0x4000, s24;
	s14 =	sand.u32 $0x70, s25  }
.Ltmp0:
0x12: {  	s29 =	sshrl.u32 s15, $0x3;
	s31 =	sshrl.u32 s30, $0x3;
	(pc) =	sbr.rel .LBB2_1-.Ltmp0, $4  }
0x13: {  	s15 =	simm.s32 $0x400;
	s13 =	sadd.s32 s7, s1;
	s14 =	sadd.s32 s2, s14  }
0x14: {  	s7 =	sadd.s32 $0x6600, s1;
	s11 =	sadd.s32 s3, s29;
	s12 =	sadd.s32 s12, s14  }
0x15: {  	s10 =	sadd.s32 $0x3600, s13;
	s13 =	smax.u32 s23, $0x1;
	s14 =	simm.s32 $0x80  }
0x16: {  	[dreg:$0x7] =	wrdreg s12;
	s12 =	sadd.s32 s9, s31;
	s9 =	simm.s32 $0x0  }
.LBB2_15:
0x17: {  	s22 =	sadd.s32 $0x1, s22  }
0x18: {  	p1 =	sne.s32 s22, s13  }
.Ltmp1:
0x19: {  	_ = 	snop;
	(pc) =	sbr.rel @!p1 .LBB2_16-.Ltmp1, $1  }
0x1a: {  	_ =	sdelay $0x3  }
.LBB2_1:
.Ltmp2:
0x1b: {  	(pc) =	sbr.rel .LBB2_2-.Ltmp2, $2  }
0x1c: {  	_ =	sdelay $0x2  }
0x1d: {  	s23 =	simm.s32 $0x0  }
.LBB2_10:
0x1e: {  	s23 =	sadd.s32 $0x1, s23  }
0x1f: {  	p1 =	sne.s32 s23, $0x8  }
.Ltmp3:
0x20: {  	_ = 	snop;
	(pc) =	sbr.rel @!p1 .LBB2_11-.Ltmp3, $1  }
0x21: {  	_ =	sdelay $0x3  }
.LBB2_2:
0x22: {  	s1 =	sshll.u32 s23, $0x4  }
0x23: {  	s3 =	sadd.s32 s2, s1  }
0x24: {  	[tilespmem:s16], [sflag:$0x1] =	stream.strided.gather [hbm4b:s3+s14], $0x4000, s15, s14, $0x38;
	[tilespmem:$0x9600] =	vst v63  }
0x25: {  	_ =	swait.ge [sflag:s17], $0x4000  }
0x26: {  	[sflag:s17] =	ssyncset.done $0x0  }
0x27: {  	s31 =	sshll.u32 s23, $0x7;
	s1 =	sadd.s32 s6, s1;
	[sflag:s17] =	ssyncadd.s32 $0xFFFFC000  }
0x28: {  	[tilespmem:s18], [sflag:$0x1] =	stream.strided.gather [hbm4b:s1+s14], $0x200, s15, s14, $0x38;
	[tilespmem:$0x9600] =	vst v63  }
0x29: {  	s1 =	sor.u32 s8, s31  }
0x2a: {  	_ =	swait.ge [sflag:s17], $0x200;
	s1 =	sshrl.u32 s1, $0x3  }
0x2b: {  	s29 =	simm.s32 $0x0;
	[sflag:s17] =	ssyncset.done $0x0;
	s24 =	sshll.u32 s1, $0xF  }
0x2c: {  	s25 =	sshll.u32 s1, $0x11;
	s26 =	sshll.u32 s1, $0xC;
	[sflag:s17] =	ssyncadd.s32 $0xFFFFFE00  }
.LBB2_3:
0x2d: {  	s1 =	sadd.s32 s8, s29  }
0x2e: {  	s1 =	sshll.u32 s1, $0x7  }
0x2f: {  	s30 =	sand.u32 $0x380, s1  }
0x30: {  	s1 =	sor.u32 s24, s30  }
0x31: {  	s1 =	sshrl.u32 s1, $0x3  }
0x32: {  	s1 =	sadd.s32 s0, s1  }
0x33: {  	[tilespmem:s28], [sflag:$0x1] =	stream.strided.gather [hbm4b:s1+s14], $0x1000, s15, s14, $0x38;
	[tilespmem:$0x9600] =	vst v63  }
0x34: {  	_ =	swait.ge [sflag:s17], $0x1000  }
0x35: {  	[sflag:s17] =	ssyncset.done $0x0  }
0x36: {  	s3 =	simm.s32 $0x0;
	[sflag:s17] =	ssyncadd.s32 $0xFFFFF000  }
0x37: {  	v0 =	vld [tilespmem:s3+$0x1000];
	_ =	sdelay $0x7  }
0x38: {  	s31 =	simm.s32 $0x10;
	s1 =	simm.s32 $0x80;
	v0 =	vld.idx.msk [tilespmem:v0+s28+$0x0], $0xffff  }
.LBB2_4:
0x39: {  	p1 =	sne.s32 s1, $0xFFC0;
	v1 =	vld [tilespmem:s31+$0x1000];
	_ =	sdelay $0x3  }
.Ltmp4:
0x3a: {  	(pc) =	sbr.rel @p1 .LBB2_4-.Ltmp4, $2  }
0x3b: {  	[tilespmem:s3+$0x5400] =	vst v0;
	s3 =	smov.u32 s31;
	_ =	sdelay $0x2  }
0x3c: {  	s31 =	sshra.s32 s1, $0x2;
	s1 =	sadd.s32 $0x40, s1;
	v0 =	vld.idx.msk [tilespmem:v1+s9+$0x0], $0xffff  }
0x3d: {  	v1 =	vld [tilespmem:s31+$0x1000];
	_ =	sdelay $0x6  }
0x3e: {  	[tilespmem:s3+$0x5400] =	vst v0  }
0x3f: {  	p2 =	por $0x1, $0x1;
	v0 =	vld.idx.msk [tilespmem:v1+s9+$0x0], $0xffff  }
.Ltmp5:
0x40: {  	_ = 	snop;
	(pc) =	sbr.rel @!p2 .LBB2_6-.Ltmp5, $2  }
0x41: {  	_ =	sdelay $0x2  }
0x42: {  	p1 =	por $0x0, $0x0;
	[tilespmem:s31+$0x5400] =	vst v0;
	s31 =	simm.s32 $0x0  }
0x43: {  	v0 =	vld [tilespmem:s31+$0x5000];
	_ =	sdelay $0x2  }
0x44: {  	p2 =	por $0x1, $0x1  }
.Ltmp6:
0x45: {  	_ = 	snop;
	(pc) =	sbr.rel @!p2 .LBB2_9-.Ltmp6, $2  }
0x46: {  	_ =	sdelay $0x2  }
0x47: {  	s3 =	simm.s32 $0x10;
	s1 =	simm.s32 $0x80;
	p1 =	por $0x1, $0x1;
	v0 =	vld.idx.msk [tilespmem:v0+s5+$0x0], $0xffff  }
.LBB2_8:
0x48: {  	p2 =	sne.s32 s1, $0x7C0;
	v1 =	vld [tilespmem:s3+$0x5000];
	_ =	sdelay $0x3  }
.Ltmp7:
0x49: {  	(pc) =	sbr.rel @p2 .LBB2_8-.Ltmp7, $2  }
0x4a: {  	[tilespmem:s31+$0x9400] =	vst v0;
	s31 =	smov.u32 s3;
	_ =	sdelay $0x2  }
0x4b: {  	s3 =	sshra.s32 s1, $0x2;
	s1 =	sadd.s32 $0x40, s1;
	v0 =	vld.idx.msk [tilespmem:v1+s5+$0x0], $0xffff  }
.LBB2_9:
0x4c: {  	v1 =	vld [tilespmem:s3+$0x5000];
	_ =	sdelay $0x6  }
0x4d: {  	[tilespmem:s31+$0x9400] =	vst @p1 v0  }
0x4e: {  	v0 =	vld.idx.msk [tilespmem:v1+s5+$0x0], $0xffff;
	_ =	sdelay $0x2  }
0x4f: {  	s1 =	sor.u32 s25, s30  }
0x50: {  	s1 =	sshrl.u32 s1, $0x3  }
0x51: {  	s1 =	sadd.s32 s7, s1;
	[tilespmem:s3+$0x9400] =	vst v0  }
0x52: {  	[hbm4b:s1+s14] =	stream.strided.scatter [tilespmem:s19], [sflag:$0x1], $0x4000, s15, s14, $0x38;
	[tilespmem:$0x9600] =	vst v63  }
0x53: {  	s31 =	sor.u32 s26, s30;
	_ =	swait.ge [sflag:s17], $0x4000  }
0x54: {  	s29 =	sadd.s32 $0x1, s29;
	s1 =	sshrl.u32 s31, $0x3;
	[sflag:s17] =	ssyncset.done $0x0  }
0x55: {  	p1 =	sne.s32 s29, $0x4;
	s1 =	sadd.s32 s4, s1;
	[sflag:s17] =	ssyncadd.s32 $0xFFFFC000  }
0x56: {  	[hbm4b:s1+s14] =	stream.strided.scatter [tilespmem:s20], [sflag:$0x1], $0x200, s15, s14, $0x38;
	[tilespmem:$0x9600] =	vst v63  }
.Ltmp8:
0x57: {  	_ = 	snop;
	(pc) =	sbr.rel @p1 .LBB2_3-.Ltmp8, $4  }
.Ltmp9:
0x58: {  	_ = 	snop;
	(pc) =	sbr.rel @!p1 .LBB2_10-.Ltmp9, $4  }
0x59: {  	_ =	swait.ge [sflag:s17], $0x200  }
0x5a: {  	[sflag:s17] =	ssyncset.done $0x0  }
0x5b: {  	[sflag:s17] =	ssyncadd.s32 $0xFFFFFE00  }
0x5c: {  	_ = 	snop  }
.LBB2_6:
.Ltmp10:
0x5d: {  	(pc) =	sbr.rel .LBB2_9-.Ltmp10, $2  }
0x5e: {  	_ =	sdelay $0x2  }
0x5f: {  	s3 =	simm.s32 $0x0  }
.LBB2_11:
.Ltmp11:
0x60: {  	(pc) =	sbr.rel @p0 .LBB2_15-.Ltmp11, $1  }
0x61: {  	_ =	sdelay $0x3  }
0x62: {  	s1 =	simm.s32 $0x1000;
	s3 =	rddreg [dreg:$0x7]  }
0x63: {  	[tilespmem:s1], [sflag:$0x1] =	stream.strided.gather [hbm4b:s3+s14], $0x4000, s15, s14, $0x38;
	[tilespmem:$0x9600] =	vst v63  }
0x64: {  	_ =	swait.ge [sflag:s17], $0x4000  }
0x65: {  	[sflag:s17] =	ssyncset.done $0x0  }
0x66: {  	s30 =	simm.s32 $0x0;
	[sflag:s17] =	ssyncadd.s32 $0xFFFFC000  }
0x67: {  	[tilespmem:s30], [sflag:$0x1] =	stream.strided.gather [hbm4b:s10+s14], $0x1000, s15, s14, $0x38;
	[tilespmem:$0x9600] =	vst v63  }
0x68: {  	_ =	swait.ge [sflag:s17], $0x1000  }
0x69: {  	[sflag:s17] =	ssyncset.done $0x0  }
0x6a: {  	[sflag:s17] =	ssyncadd.s32 $0xFFFFF000  }
0x6b: {  	[tilespmem:s21], [sflag:$0x1] =	stream.strided.gather [hbm4b:s11+s14], $0x200, s15, s14, $0x38;
	[tilespmem:$0x9600] =	vst v63  }
0x6c: {  	_ =	swait.ge [sflag:s17], $0x200  }
0x6d: {  	[sflag:s17] =	ssyncset.done $0x0  }
0x6e: {  	v0 =	vmov s30;
	[sflag:s17] =	ssyncadd.s32 $0xFFFFFE00  }
0x6f: {  	v0 =	vshra.s32 v0, $0x5;
	v1 =	vld [tilespmem:s1+$0x0]  }
0x70: {  	v0 =	vbroadcast v0, $0x0;
	_ =	sdelay $0x5  }
0x71: {  	v0 =	vld.idx.msk [tilespmem:v0+s21+$0x0], $0xffff  }
0x72: {  	v1 =	vld.idx.msk [tilespmem:v1+s5+$0x0], $0xffff;
	_ =	sdelay $0x4  }
0x73: {  	v0 =	vsub.f32 v1, v0  }
0x74: {  	s23 =	simm.s32 $0x5400;
	s31 =	simm.s32 $0x10  }
0x75: {  	s24 =	simm.s32 $0x1010;
	v1 =	vmov s31;
	[tilespmem:s23+$0x0] =	vst v0  }
0x76: {  	s25 =	simm.s32 $0x20;
	v1 =	vshra.s32 v1, $0x5;
	v0 =	vld [tilespmem:s24+$0x0]  }
.LBB2_13:
0x77: {  	p1 =	sne.s32 s25, $0x3FF0;
	v1 =	vbroadcast v1, $0x0;
	_ =	sdelay $0x5  }
0x78: {  	v1 =	vld.idx.msk [tilespmem:v1+s21+$0x0], $0xffff  }
0x79: {  	v0 =	vld.idx.msk [tilespmem:v0+s5+$0x0], $0xffff;
	_ =	sdelay $0x4  }
.Ltmp12:
0x7a: {  	(pc) =	sbr.rel @p1 .LBB2_13-.Ltmp12, $4  }
0x7b: {  	v0 =	vsub.f32 v0, v1  }
0x7c: {  	s23 =	sadd.s32 $0x10, s23  }
0x7d: {  	s24 =	sadd.s32 $0x10, s24;
	v1 =	vmov s25;
	[tilespmem:s23+$0x0] =	vst v0  }
0x7e: {  	s25 =	sadd.s32 $0x10, s25;
	v1 =	vshra.s32 v1, $0x5;
	v0 =	vld [tilespmem:s24+$0x0]  }
0x7f: {  	_ =	sdelay $0x2  }
0x80: {  	v1 =	vbroadcast v1, $0x0;
	_ =	sdelay $0x4  }
0x81: {  	v0 =	vld.idx.msk [tilespmem:v0+s5+$0x0], $0xffff  }
0x82: {  	v1 =	vld.idx.msk [tilespmem:v1+s21+$0x0], $0xffff;
	_ =	sdelay $0x4  }
0x83: {  	v0 =	vsub.f32 v0, v1  }
0x84: {  	s1 =	sadd.s32 $0x10, s23  }
.Ltmp13:
0x85: {  	[tilespmem:s1+$0x0] =	vst v0;
	(pc) =	sbr.rel .LBB2_15-.Ltmp13, $4  }
0x86: {  	[hbm4b:s12+s14] =	stream.strided.scatter [tilespmem:s19], [sflag:$0x1], $0x4000, s15, s14, $0x38;
	[tilespmem:$0x9600] =	vst v63  }
0x87: {  	_ =	swait.ge [sflag:s17], $0x4000  }
0x88: {  	[sflag:s17] =	ssyncset.done $0x0  }
0x89: {  	[sflag:s17] =	ssyncadd.s32 $0xFFFFC000  }
.LBB2_16:
0x8a: {  	_ =	sfence.sel $0x180000  }
0x8b: {  	[bflag:$0x0] =	sbarrier.arrive $0xFFFF  }
0x8c: {  	_ =	strace $0x9000004A  }
0x8d: {  	s0 =	stileid.u32;
	[bflag:$0x2] =	sbarrier.arrive $0xFFFF  }
0x8e: {  	p0 =	sne.s32 s0, $0x0;
	s0 =	rddreg [dreg:$0x6]  }
0x8f: {  	s0 =	sadd.s32 @!p0 $0x100000, s0  }
0x90: {  	[sflag:s0] =	ssyncadd.tile.s32 @!p0 $0x1;
	_ =	shalt  }
.Lfunc_end2:
_tile_overlayer_lowered:
.L_overlay_start_2:
0x91: {  	(tag) =	ssettag $0x2  }
0x92: {  	s0 =	rddreg [dreg:$0x0];
	s2 =	stileid.u32  }
0x93: {  	s1 =	rddreg [dreg:$0x1];
	p0 =	sne.s32 s2, $0x0  }
0x94: {  	s3 =	rddreg [dreg:$0x2];
	[bflag:$0x3] =	sbarrier.arrive $0xFFFF;
	s2 =	simm.s32 @!p0 $0x1C01  }
0x95: {  	[timem:s3], [sflag:s2] =	dma.local @!p0 [hbm:s0], s1  }
0x96: {  	s0 =	simm.s32 @!p0 $0x1  }
0x97: {  	_ =	swait.ge @!p0 [sflag:s0], s1  }
0x98: {  	s1 =	ssub.s32 @!p0 $0x0, s1;
	[sflag:s0] =	ssyncset.done @!p0 $0x0  }
0x99: {  	[sflag:s0] =	ssyncadd.s32 @!p0 s1  }
0x9a: {  	[bflag:$0x3] =	sbarrier.arrive $0xFFFF  }
0x9b: {  	_ =	shalt  }

// kernel: sparse-core-data-format-call.1.cloned.1.call-start
scs
called_computation.1_lowered:
.L_overlay_start_0:
0x0: {  	s2 =	sld [smem:$0x3FD9]  }
0x1: {  	s3 =	sld [smem:$0x3FFE];
	_ =	sdelay $0x1  }
0x2: {  	s1 =	srdreg.scid  }
0x3: {  	s0 =	sand.u32 $0x1, s1  }
0x4: {  	s15 =	sshll.u32 s0, $0xA;
	s2 =	sadd.s32 s3, s2  }
0x5: {  	s2 =	sadd.s32 s2, s15  }
0x6: {  	[smem:$0x3FC6] =	sst s2  }
0x7: {  	_ = 	snop  }
0x8: {  	s2 =	sld [smem:$0x3FD0];
	_ =	sdelay $0x2  }
0x9: {  	s16 =	simm.s32 $0xA;
	s4 =	simm.s32 $0x10  }
0xa: {  	[smem:s4], [sflag:s16] =	dma.local [hbm:s2], $0x1  }
0xb: {  	_ =	swait.eq [sflag:s16], $0x1  }
0xc: {  	[sflag:s16] =	ssyncset.done $0x0  }
0xd: {  	[sflag:s16] =	ssyncadd.s32 $0xFFFFFFFF  }
0xe: {  	s17 =	sld [smem:$0x12];
	(tm) =	ssettm $0x1  }
0xf: {  	s18 =	sld [smem:$0x3FFB];
	_ =	sdelay $0x3  }
0x10: {  	_ =	strace s18  }
0x11: {  	s3 =	sld [smem:$0x3FFC];
	_ =	sdelay $0x3  }
0x12: {  	_ =	strace s3  }
0x13: {  	s3 =	sld [smem:$0x3FFD];
	_ =	sdelay $0x3  }
0x14: {  	_ =	strace s3  }
0x15: {  	_ =	strace $0x8FFFFFFF  }
0x16: {  	s19 =	sld [smem:$0x3FDB];
	_ =	sdelay $0x1  }
0x17: {  	s20 =	simm.s32 $_scs_section_size  }
0x18: {  	s5 =	simm.s32 $_size__tile_overlayer_lowered;
	s6 =	simm.s32 $_tile_overlayer_lowered  }
0x19: {  	s23 =	simm.s32 $0x1BFF;
	s22 =	sshll.u32 s6, $0x1;
	s3 =	sadd.s32 s20, s19  }
0x1a: {  	s7 =	simm.s32 $0x0;
	s21 =	sshll.u32 s5, $0x1;
	s5 =	sadd.s32 s22, s3  }
0x1b: {  	[timem:s7], [sflag:s23] =	dma.local [hbm:s5], s21  }
0x1c: {  	_ =	swait.ge [sflag:s23], s21  }
0x1d: {  	s4 =	ssub.s32 $0x0, s21;
	[sflag:s23] =	ssyncset.done $0x0  }
0x1e: {  	[sflag:s23] =	ssyncadd.s32 s4;
	_ =	sdelay $0x1  }
0x1f: {  	s24 =	simm.s32 $0x1B8B  }
0x20: {  	_ =	swait.ge [sflag:s24], $0x1  }
0x21: {  	[sflag:s24] =	ssyncset.done $0x0  }
0x22: {  	s26 =	simm.s32 $0x1B8E;
	s25 =	sld [smem:$0x3FFE];
	[sflag:s24] =	ssyncadd.s32 $0xFFFFFFFF  }
0x23: {  	s27 =	simm.s32 $execute0_lowered;
	[smem:$0x3FD2] =	sst s26  }
0x24: {  	s5 =	sshll.u32 s27, $0x1;
	_ =	strace $0x8000004C;
	[dreg:$0x1] =	wrdreg $0xFFFFFFFF  }
0x25: {  	s28 =	simm.s32 $_size_execute0_lowered;
	s3 =	sadd.s32 s3, s5;
	[dreg:$0x0] =	wrdreg $0x0  }
0x26: {  	s5 =	sshll.u32 s28, $0x1;
	[dreg:$0x2] =	wrdreg s3  }
0x27: {  	[dreg:$0x3] =	wrdreg s5  }
0x28: {  	[dreg:$0x4] =	wrdreg $0xC0  }
0x29: {  	_ =	task [dreg:s7], $0x5FFFF  }
0x2a: {  	[dreg:$0x1] =	wrdreg $0xFFFFFFFF  }
0x2b: {  	[dreg:$0x0] =	wrdreg $0x60  }
0x2c: {  	[dreg:$0x2] =	wrdreg s17  }
0x2d: {  	[dreg:$0x3] =	wrdreg s25  }
0x2e: {  	[dreg:$0x4] =	wrdreg $0x9  }
0x2f: {  	_ =	task.clear_ibuf [dreg:s7], $0x5FFFF;
	_ =	strace $0x9000004C  }
0x30: {  	s29 =	simm.s32 $0x9;
	_ =	strace $0x8000004E  }
0x31: {  	_ =	swait.ge [sflag:s29], $0x1  }
0x32: {  	[sflag:s29] =	ssyncadd.s32 $0xFFFFFFFF  }
0x33: {  	_ =	strace $0x9000004E  }
0x34: {  	_ =	sfence  }
0x35: {  	s30 =	sld [smem:$0x0];
	_ =	sdelay $0x2  }
0x36: {  	s31 =	sshll.u32 s1, $0xD;
	s1 =	sshrl.u32 s1, $0x2  }
0x37: {  	s3 =	sand.u32 $0x4000, s31;
	s1 =	sadd.s32 s1, s30  }
0x38: {  	s0 =	sor.u32 s3, s0;
	s1 =	sshll.u32 s1, $0x11  }
0x39: {  	s0 =	sor.u32 s1, s0  }
0x3a: {  	s0 =	sadd.s32 $0x8F2B, s0  }
0x3b: {  	[sflag:s0] =	ssyncadd.remote.s32 $0x1  }
0x3c: {  	_ =	sfence.sel $0xFFFF  }
0x3d: {  	[dreg:$0x0] =	wrdreg $0xFFFFFFFF;
	(pc) =	sbr.abs _section_cstart, $3  }
0x3e: {  	[dreg:$0x1] =	wrdreg $0xFFFFFFFF  }
0x3f: {  	_ =	task.clear_ibuf [dreg:s7], $0x2FFFF;
	_ =	strace $0x9FFFFFFF  }
0x40: {  	(tm) =	ssettm $0x7FFFFFFF  }
0x41: {  	_ =	shalt  }
tec
execute0_lowered:
.L_overlay_start_1:
0x0: {  	(tag) =	ssettag $0x1  }
0x1: {  	s0 =	srdreg.scid  }
0x2: {  	s1 =	sshll.u32 s0, $0x4  }
0x3: {  	s2 =	rddreg [dreg:$0x0];
	s0 =	stileid.u32;
	s1 =	sand.u32 $0x10, s1  }
0x4: {  	s4 =	rddreg [dreg:$0x1];
	s7 =	simm.s32 $0x1;
	s1 =	sor.u32 s0, s1  }
0x5: {  	s8 =	simm.s32 $0x2;
	s9 =	simm.s32 $0x0;
	s3 =	sshll.u32 s1, $0x1  }
0x6: {  	s12 =	simm.s32 $0x0;
	s11 =	simm.s32 $0x0;
	s6 =	ssub.s32 $0x800, s3  }
.Ltmp0:
0x7: {  	s4 =	sadd.s32 $0x3600, s4;
	s5 =	sand.u32 $0x3E, s6;
	(pc) =	sbr.rel .LBB1_1-.Ltmp0, $4  }
0x8: {  	s1 =	rddreg [dreg:$0x2];
	_ =	strace $0x8000004D;
	p0 =	sne.s32 s5, $0x0  }
0x9: {  	s6 =	sshrl.u32 s6, $0x6;
	s5 =	simm.s32 $0x1;
	s7 =	simm.s32 @!p0 $0x0  }
0xa: {  	s10 =	smov.u32 s3;
	[sflag:s5] =	ssyncpa.u1 $0x0;
	s6 =	sadd.s32 s7, s6  }
0xb: {  	[sflag:s8] =	ssyncpa.u1 $0x0;
	s8 =	simm.s32 $0x0;
	s7 =	sadd.s32 $0x1, s6  }
.LBB1_9:
0xc: {  	s14 =	sadd.s32 $0x40, s10  }
0xd: {  	p1 =	sgt.s32 s14, $0x7FF  }
0xe: {  	s14 =	smov.u32 @p1 s3;
	p1 =	sne.s32 s11, s7  }
.Ltmp1:
0xf: {  	p0 =	slt.u32 s11, $0x2;
	(pc) =	sbr.rel @!p1 .LBB1_10-.Ltmp1, $4  }
0x10: {  	s13 =	simm.s32 @!p0 $0x2  }
0x11: {  	s15 =	sadd.s32 $0x1, s11;
	_ =	swait.ge @!p0 [sflag:s13], $0x4000  }
0x12: {  	s12 =	smov.u32 s10;
	s9 =	sadd.s32 $0x4000, s9;
	[sflag:s13] =	ssyncset.done @!p0 $0x0  }
0x13: {  	s11 =	smov.u32 s15;
	s10 =	smov.u32 s14;
	[sflag:s13] =	ssyncadd.s32 @!p0 $0xFFFFC000  }
.LBB1_1:
0x14: {  	p0 =	sge.u32 s11, s6  }
0x15: {  	s13 =	sxor.u32 @!p0 $0xFFFFFFFF, s11  }
0x16: {  	s31 =	sadd.s32 $0xFFFFFFFF, s11;
	s14 =	sshll.u32 @!p0 s10, $0xA;
	s13 =	sshll.u32 @!p0 s13, $0xE  }
0x17: {  	s15 =	simm.s32 @!p0 $0x0;
	s14 =	sadd.s32 @!p0 s2, s14;
	s13 =	sand.u32 @!p0 $0x4000, s13  }
0x18: {  	[tilespmem:s13], [sflag:$0x1] =	stream.linear.gather @!p0 [hbm4b:s14+s15], $0x4000, $0x38;
	[tilespmem:$0x10000] =	vst v63  }
0x19: {  	p0 =	sge.u32 s31, s6  }
.Ltmp2:
0x1a: {  	_ = 	snop;
	(pc) =	sbr.rel @p0 .LBB1_9-.Ltmp2, $1  }
0x1b: {  	_ =	sdelay $0x3  }
0x1c: {  	s13 =	sshll.u32 s9, $0x2  }
0x1d: {  	_ =	swait.ge [sflag:s5], $0x4000;
	s14 =	sshll.u32 s11, $0xE;
	s16 =	simm.s32 $0x0  }
0x1e: {  	p1 =	por $0x1, $0x1;
	s13 =	sand.u32 $0x10000, s13;
	[sflag:s5] =	ssyncset.done $0x0  }
0x1f: {  	s14 =	sand.u32 $0x4000, s14;
	s15 =	sshrl.u32 s13, $0x2;
	[sflag:s5] =	ssyncadd.s32 $0xFFFFC000  }
0x20: {  	s13 =	sor.u32 $0x8000, s14;
	s14 =	sadd.s32 $0x8040, s15;
	s15 =	sadd.s32 $0x40, s15  }
.LBB1_3:
0x21: {  	s16 =	sshll.u32 s16, $0x2  }
0x22: {  	p0 =	por p1, p1;
	s17 =	sshra.s32 s16, $0x2  }
0x23: {  	s18 =	simm.s32 $0x0;
	s16 =	sadd.s32 s17, s14;
	s17 =	sadd.s32 s17, s15  }
.LBB1_4:
0x24: {  	v0 =	vmov s17;
	_ =	sdelay $0x3  }
0x25: {  	s20 =	simm.s32 $0x0  }
0x26: {  	v6 =	vld.idx.msk [tilespmem:v0+s20+$0x30 ss:$0x1], $0xffff  }
0x27: {  	v7 =	vld.idx.msk [tilespmem:v0+s20+$0xFFFFFFC0 ss:$0x1], $0xffff  }
0x28: {  	v5 =	vld.idx.msk [tilespmem:v0+s20+$0xFFFFFFD0 ss:$0x1], $0xffff  }
0x29: {  	v4 =	vld.idx.msk [tilespmem:v0+s20+$0xFFFFFFE0 ss:$0x1], $0xffff  }
0x2a: {  	v3 =	vld.idx.msk [tilespmem:v0+s20+$0xFFFFFFF0 ss:$0x1], $0xffff  }
0x2b: {  	v1 =	vld.idx.msk [tilespmem:v0+s20+$0x0 ss:$0x1], $0xffff  }
0x2c: {  	v2 =	vld.idx.msk [tilespmem:v0+s20+$0x10 ss:$0x1], $0xffff;
	[tilespmem:s16+$0x30] =	vst v6  }
0x2d: {  	s19 =	simm.s32 $0x80;
	s21 =	simm.s32 $0x400;
	[tilespmem:s16+$0xFFFFFFC0] =	vst v7;
	v6 =	vld.idx.msk [tilespmem:v0+s20+$0x20 ss:$0x1], $0xffff;
	s20 =	smov.u32 s16  }
.LBB1_5:
0x2e: {  	p1 =	sne.s32 s21, $0xE00;
	v7 =	vld.idx.msk [tilespmem:v0+s19+$0x30 ss:$0x1], $0xffff;
	[tilespmem:s20+$0xFFFFFFD0] =	vst v5  }
0x2f: {  	v8 =	vld.idx.msk [tilespmem:v0+s19+$0xFFFFFFC0 ss:$0x1], $0xffff;
	[tilespmem:s20+$0xFFFFFFE0] =	vst v4  }
0x30: {  	v5 =	vld.idx.msk [tilespmem:v0+s19+$0xFFFFFFD0 ss:$0x1], $0xffff;
	[tilespmem:s20+$0xFFFFFFF0] =	vst v3  }
.Ltmp3:
0x31: {  	v4 =	vld.idx.msk [tilespmem:v0+s19+$0xFFFFFFE0 ss:$0x1], $0xffff;
	[tilespmem:s20+$0x0] =	vst v1;
	(pc) =	sbr.rel @p1 .LBB1_5-.Ltmp3, $4  }
0x32: {  	v3 =	vld.idx.msk [tilespmem:v0+s19+$0xFFFFFFF0 ss:$0x1], $0xffff;
	[tilespmem:s20+$0x10] =	vst v2  }
0x33: {  	v1 =	vld.idx.msk [tilespmem:v0+s19+$0x0 ss:$0x1], $0xffff;
	[tilespmem:s20+$0x20] =	vst v6;
	s20 =	sadd.s32 $0x400, s20  }
0x34: {  	v2 =	vld.idx.msk [tilespmem:v0+s19+$0x10 ss:$0x1], $0xffff;
	[tilespmem:s20+$0x30] =	vst v7  }
0x35: {  	[tilespmem:s20+$0xFFFFFFC0] =	vst v8;
	v6 =	vld.idx.msk [tilespmem:v0+s19+$0x20 ss:$0x1], $0xffff;
	s19 =	sshra.s32 s21, $0x2;
	s21 =	sadd.s32 $0x200, s21  }
0x36: {  	_ =	sdelay $0x2  }
0x37: {  	[tilespmem:s20+$0xFFFFFFD0] =	vst v5  }
0x38: {  	v56 =	vld.idx.msk [tilespmem:v0+s19+$0x30 ss:$0x1], $0xffff;
	[tilespmem:s20+$0xFFFFFFE0] =	vst v4  }
0x39: {  	v57 =	vld.idx.msk [tilespmem:v0+s19+$0xFFFFFFC0 ss:$0x1], $0xffff;
	[tilespmem:s20+$0xFFFFFFF0] =	vst v3  }
0x3a: {  	v58 =	vld.idx.msk [tilespmem:v0+s19+$0xFFFFFFD0 ss:$0x1], $0xffff;
	[tilespmem:s20+$0x0] =	vst v1  }
0x3b: {  	v59 =	vld.idx.msk [tilespmem:v0+s19+$0xFFFFFFE0 ss:$0x1], $0xffff;
	[tilespmem:s20+$0x10] =	vst v2  }
0x3c: {  	v60 =	vld.idx.msk [tilespmem:v0+s19+$0xFFFFFFF0 ss:$0x1], $0xffff;
	s31 =	sadd.s32 $0x400, s20;
	[tilespmem:s20+$0x20] =	vst v6  }
0x3d: {  	v61 =	vld.idx.msk [tilespmem:v0+s19+$0x0 ss:$0x1], $0xffff;
	[tilespmem:s31+$0x30] =	vst v56  }
0x3e: {  	v62 =	vld.idx.msk [tilespmem:v0+s19+$0x10 ss:$0x1], $0xffff;
	s18 =	sadd.s32 $0x1, s18;
	[tilespmem:s31+$0xFFFFFFC0] =	vst v57  }
0x3f: {  	v63 =	vld.idx.msk [tilespmem:v0+s19+$0x20 ss:$0x1], $0xffff;
	p1 =	sne.s32 s18, $0x8;
	[tilespmem:s31+$0xFFFFFFD0] =	vst v58  }
.Ltmp4:
0x40: {  	[tilespmem:s31+$0xFFFFFFE0] =	vst v59;
	(pc) =	sbr.rel @p1 .LBB1_4-.Ltmp4, $4  }
0x41: {  	[tilespmem:s31+$0xFFFFFFF0] =	vst v60  }
0x42: {  	[tilespmem:s31+$0x0] =	vst v61  }
0x43: {  	[tilespmem:s31+$0x10] =	vst v62  }
0x44: {  	s16 =	sadd.s32 $0x80, s16;
	s17 =	sadd.s32 $0x400, s17;
	[tilespmem:s31+$0x20] =	vst v63  }
.Ltmp5:
0x45: {  	(pc) =	sbr.rel @p0 .LBB1_3-.Ltmp5, $2  }
0x46: {  	_ =	sdelay $0x2  }
0x47: {  	s16 =	simm.s32 $0x2000;
	p1 =	por $0x0, $0x0  }
.Ltmp6:
0x48: {  	(pc) =	sbr.rel .LBB1_9-.Ltmp6, $4  }
0x49: {  	_ = 	snop  }
0x4a: {  	s12 =	sshll.u32 s12, $0xA  }
0x4b: {  	s12 =	sadd.s32 s4, s12  }
0x4c: {  	[hbm4b:s12+s8] =	stream.linear.scatter [tilespmem:s13], [sflag:$0x2], $0x4000, $0x38;
	[tilespmem:$0x10000] =	vst v63  }
.LBB1_10:
0x4d: {  	_ =	sfence.sel $0x180000  }
0x4e: {  	s2 =	simm.s32 $0x1;
	[bflag:$0x0] =	sbarrier.arrive $0xFFFF  }
0x4f: {  	s31 =	simm.s32 $0x2;
	[sflag:s2] =	ssyncpa.u1 $0x1  }
0x50: {  	[sflag:s31] =	ssyncpa.u1 $0x1  }
0x51: {  	p0 =	sne.s32 s0, $0x0;
	_ =	strace $0x9000004D  }
0x52: {  	s0 =	sadd.s32 @!p0 $0x100000, s1;
	[bflag:$0x2] =	sbarrier.arrive $0xFFFF  }
0x53: {  	[sflag:s0] =	ssyncadd.tile.s32 @!p0 $0x1;
	_ =	shalt  }
.Lfunc_end1:
_tile_overlayer_lowered:
.L_overlay_start_2:
0x54: {  	(tag) =	ssettag $0x2  }
0x55: {  	s0 =	rddreg [dreg:$0x0];
	s2 =	stileid.u32  }
0x56: {  	s1 =	rddreg [dreg:$0x1];
	p0 =	sne.s32 s2, $0x0  }
0x57: {  	s3 =	rddreg [dreg:$0x2];
	[bflag:$0x3] =	sbarrier.arrive $0xFFFF;
	s2 =	simm.s32 @!p0 $0x1C01  }
0x58: {  	[timem:s3], [sflag:s2] =	dma.local @!p0 [hbm:s0], s1  }
0x59: {  	s0 =	simm.s32 @!p0 $0x1  }
0x5a: {  	_ =	swait.ge @!p0 [sflag:s0], s1  }
0x5b: {  	s1 =	ssub.s32 @!p0 $0x0, s1;
	[sflag:s0] =	ssyncset.done @!p0 $0x0  }
0x5c: {  	[sflag:s0] =	ssyncadd.s32 @!p0 s1  }
0x5d: {  	[bflag:$0x3] =	sbarrier.arrive $0xFFFF  }
0x5e: {  	_ =	shalt  }

// kernel: sparse-core-data-format-call.cloned.1.call-start
scs
called_computation_lowered:
.L_overlay_start_0:
0x0: {  	s2 =	sld [smem:$0x3FD9]  }
0x1: {  	s3 =	sld [smem:$0x3FFE];
	_ =	sdelay $0x1  }
0x2: {  	s1 =	srdreg.scid  }
0x3: {  	s0 =	sand.u32 $0x1, s1  }
0x4: {  	s15 =	sshll.u32 s0, $0xA;
	s2 =	sadd.s32 s3, s2  }
0x5: {  	s2 =	sadd.s32 s2, s15  }
0x6: {  	[smem:$0x3FC6] =	sst s2  }
0x7: {  	_ = 	snop  }
0x8: {  	s2 =	sld [smem:$0x3FD0];
	_ =	sdelay $0x2  }
0x9: {  	s16 =	simm.s32 $0xA;
	s4 =	simm.s32 $0x10  }
0xa: {  	[smem:s4], [sflag:s16] =	dma.local [hbm:s2], $0x1  }
0xb: {  	_ =	swait.eq [sflag:s16], $0x1  }
0xc: {  	[sflag:s16] =	ssyncset.done $0x0  }
0xd: {  	[sflag:s16] =	ssyncadd.s32 $0xFFFFFFFF  }
0xe: {  	s17 =	sld [smem:$0x12];
	(tm) =	ssettm $0x1  }
0xf: {  	s18 =	sld [smem:$0x3FFB];
	_ =	sdelay $0x3  }
0x10: {  	_ =	strace s18  }
0x11: {  	s3 =	sld [smem:$0x3FFC];
	_ =	sdelay $0x3  }
0x12: {  	_ =	strace s3  }
0x13: {  	s3 =	sld [smem:$0x3FFD];
	_ =	sdelay $0x3  }
0x14: {  	_ =	strace s3  }
0x15: {  	_ =	strace $0x8FFFFFFF  }
0x16: {  	s19 =	sld [smem:$0x3FDB];
	_ =	sdelay $0x1  }
0x17: {  	s20 =	simm.s32 $_scs_section_size  }
0x18: {  	s5 =	simm.s32 $_size__tile_overlayer_lowered;
	s6 =	simm.s32 $_tile_overlayer_lowered  }
0x19: {  	s23 =	simm.s32 $0x1BFF;
	s22 =	sshll.u32 s6, $0x1;
	s3 =	sadd.s32 s20, s19  }
0x1a: {  	s7 =	simm.s32 $0x0;
	s21 =	sshll.u32 s5, $0x1;
	s5 =	sadd.s32 s22, s3  }
0x1b: {  	[timem:s7], [sflag:s23] =	dma.local [hbm:s5], s21  }
0x1c: {  	_ =	swait.ge [sflag:s23], s21  }
0x1d: {  	s4 =	ssub.s32 $0x0, s21;
	[sflag:s23] =	ssyncset.done $0x0  }
0x1e: {  	[sflag:s23] =	ssyncadd.s32 s4;
	_ =	sdelay $0x1  }
0x1f: {  	s24 =	simm.s32 $0x1B8B  }
0x20: {  	_ =	swait.ge [sflag:s24], $0x1  }
0x21: {  	[sflag:s24] =	ssyncset.done $0x0  }
0x22: {  	s26 =	simm.s32 $0x1B8E;
	s25 =	sld [smem:$0x3FFE];
	[sflag:s24] =	ssyncadd.s32 $0xFFFFFFFF  }
0x23: {  	s27 =	simm.s32 $execute0_lowered;
	[smem:$0x3FD2] =	sst s26  }
0x24: {  	s5 =	sshll.u32 s27, $0x1;
	_ =	strace $0x8000004F;
	[dreg:$0x1] =	wrdreg $0xFFFFFFFF  }
0x25: {  	s28 =	simm.s32 $_size_execute0_lowered;
	s3 =	sadd.s32 s3, s5;
	[dreg:$0x0] =	wrdreg $0x0  }
0x26: {  	s5 =	sshll.u32 s28, $0x1;
	[dreg:$0x2] =	wrdreg s3  }
0x27: {  	[dreg:$0x3] =	wrdreg s5  }
0x28: {  	[dreg:$0x4] =	wrdreg $0xC0  }
0x29: {  	_ =	task [dreg:s7], $0x5FFFF  }
0x2a: {  	[dreg:$0x1] =	wrdreg $0xFFFFFFFF  }
0x2b: {  	[dreg:$0x0] =	wrdreg $0x60  }
0x2c: {  	[dreg:$0x2] =	wrdreg s25  }
0x2d: {  	[dreg:$0x3] =	wrdreg s17  }
0x2e: {  	[dreg:$0x4] =	wrdreg $0x9  }
0x2f: {  	_ =	task.clear_ibuf [dreg:s7], $0x5FFFF;
	_ =	strace $0x9000004F  }
0x30: {  	s29 =	simm.s32 $0x9;
	_ =	strace $0x80000051  }
0x31: {  	_ =	swait.ge [sflag:s29], $0x1  }
0x32: {  	[sflag:s29] =	ssyncadd.s32 $0xFFFFFFFF  }
0x33: {  	_ =	strace $0x90000051  }
0x34: {  	_ =	sfence  }
0x35: {  	s30 =	sld [smem:$0x0];
	_ =	sdelay $0x2  }
0x36: {  	s31 =	sshll.u32 s1, $0xD;
	s1 =	sshrl.u32 s1, $0x2  }
0x37: {  	s3 =	sand.u32 $0x4000, s31;
	s1 =	sadd.s32 s1, s30  }
0x38: {  	s0 =	sor.u32 s3, s0;
	s1 =	sshll.u32 s1, $0x11  }
0x39: {  	s0 =	sor.u32 s1, s0  }
0x3a: {  	s0 =	sadd.s32 $0x8F2B, s0  }
0x3b: {  	[sflag:s0] =	ssyncadd.remote.s32 $0x1  }
0x3c: {  	_ =	sfence.sel $0xFFFF  }
0x3d: {  	[dreg:$0x0] =	wrdreg $0xFFFFFFFF;
	(pc) =	sbr.abs _section_cstart, $3  }
0x3e: {  	[dreg:$0x1] =	wrdreg $0xFFFFFFFF  }
0x3f: {  	_ =	task.clear_ibuf [dreg:s7], $0x2FFFF;
	_ =	strace $0x9FFFFFFF  }
0x40: {  	(tm) =	ssettm $0x7FFFFFFF  }
0x41: {  	_ =	shalt  }
tec
execute0_lowered:
.L_overlay_start_1:
0x0: {  	(tag) =	ssettag $0x1  }
0x1: {  	s4 =	rddreg [dreg:$0x0]  }
0x2: {  	s0 =	stileid.u32;
	s2 =	rddreg [dreg:$0x1]  }
0x3: {  	s1 =	rddreg [dreg:$0x2];
	_ =	strace $0x80000050;
	s5 =	srdreg.scid  }
0x4: {  	s31 =	simm.s32 $0x2;
	s14 =	simm.s32 $0x0;
	s9 =	simm.s32 $0x4000  }
0x5: {  	s16 =	simm.s32 $0x0;
	s15 =	simm.s32 $0x0;
	s3 =	sshll.u32 s0, $0x7  }
0x6: {  	s10 =	simm.s32 $0x0;
	s5 =	sshll.u32 s5, $0x4;
	s3 =	sand.u32 $0x180, s3  }
0x7: {  	s13 =	simm.s32 $0x0;
	s5 =	sand.u32 $0x10, s5;
	s6 =	ssub.s32 $0x200, s3  }
0x8: {  	s4 =	sadd.s32 $0x3600, s4;
	s5 =	sor.u32 s0, s5;
	s7 =	sand.u32 $0x180, s6  }
.Ltmp0:
0x9: {  	p0 =	sne.s32 s7, $0x0;
	s7 =	simm.s32 $0x1;
	(pc) =	sbr.rel .LBB1_1-.Ltmp0, $4  }
0xa: {  	s12 =	smov.u32 s3;
	s8 =	sshrl.u32 s6, $0x9;
	s7 =	simm.s32 @!p0 $0x0  }
0xb: {  	s5 =	sshrl.u32 s5, $0x2;
	s6 =	simm.s32 $0x1;
	s7 =	sadd.s32 s7, s8  }
0xc: {  	[sflag:s6] =	ssyncpa.u1 $0x0;
	s11 =	smov.u32 s5;
	s7 =	sshll.u32 s7, $0x5  }
0xd: {  	[sflag:s31] =	ssyncpa.u1 $0x0;
	p0 =	por $0x0, $0x0;
	s8 =	sor.u32 $0x1, s7  }
.LBB1_4:
0xe: {  	v5 =	vld [tilespmem:s19+$0xFFFFFFD0];
	[tilespmem:s20+$0x2040 ss:$0x81] =	vst.msk $0xffff, v1  }
0xf: {  	v58 =	vld [tilespmem:s19+$0xFFFFFFE0];
	[tilespmem:s20+$0x2850 ss:$0x81] =	vst.msk $0xffff, v2  }
0x10: {  	s21 =	sshra.s32 s21, $0x2;
	v59 =	vld [tilespmem:s19+$0xFFFFFFF0];
	[tilespmem:s20+$0x3060 ss:$0x81] =	vst.msk $0xffff, v3  }
0x11: {  	v60 =	vld [tilespmem:s19+$0x0];
	[tilespmem:s20+$0x0 ss:$0x81] =	vst.msk $0xffff, v0;
	s18 =	sadd.s32 s21, s18  }
0x12: {  	v61 =	vld [tilespmem:s19+$0x10];
	s25 =	sshll.u32 s16, $0x9;
	[tilespmem:s18+$0x3870 ss:$0x81] =	vst.msk $0xffff, v4  }
0x13: {  	s26 =	sshll.u32 s15, $0x3;
	v62 =	vld [tilespmem:s19+$0x20];
	s27 =	sshll.u32 s16, $0x7;
	s30 =	sand.u32 $0x78, s15;
	[tilespmem:s18+$0x810 ss:$0x81] =	vst.msk $0xffff, v5  }
0x14: {  	v63 =	vld [tilespmem:s19+$0xFFFFFFC0];
	s14 =	sshll.u32 s14, $0x12;
	s20 =	sand.u32 $0x3000, s25;
	s21 =	sand.u32 $0x3C00, s26;
	[tilespmem:s18+$0x1020 ss:$0x81] =	vst.msk $0xffff, v58  }
0x15: {  	s29 =	sand.u32 $0x200, s27;
	s16 =	sand.u32 $0x180, s27;
	s28 =	sadd.s32 s21, s20;
	[tilespmem:s18+$0x1830 ss:$0x81] =	vst.msk $0xffff, v59  }
0x16: {  	s31 =	sand.u32 $0x7, s15;
	s16 =	sor.u32 s30, s16;
	s19 =	sor.u32 s29, s28;
	[tilespmem:s18+$0x2040 ss:$0x81] =	vst.msk $0xffff, v60  }
0x17: {  	s14 =	sadd.s32 s2, s14;
	s16 =	sshrl.u32 s16, $0x3;
	s19 =	sshrl.u32 s19, $0x3;
	[tilespmem:s18+$0x2850 ss:$0x81] =	vst.msk $0xffff, v61  }
0x18: {  	s15 =	sshll.u32 s31, $0x12;
	s14 =	sadd.s32 s16, s14;
	[tilespmem:s18+$0x3060 ss:$0x81] =	vst.msk $0xffff, v62;
	s19 =	sand.u32 $0x7C0, s19  }
0x19: {  	s15 =	sor.u32 $0x80, s15;
	[tilespmem:s18+$0x0 ss:$0x81] =	vst.msk $0xffff, v63;
	s14 =	sadd.s32 s19, s14  }
0x1a: {  	[hbm4b:s14+s15] =	stream.strided.scatter [tilespmem:s17], [sflag:$0x2], $0x4000, s9, s15, $0x20;
	[tilespmem:$0x10100] =	vst v63  }
.LBB1_5:
0x1b: {  	s17 =	sadd.s32 $0x1, s10  }
0x1c: {  	s14 =	sadd.s32 $0x8, s11;
	s18 =	smov.u32 s11;
	p2 =	sgt.s32 s17, $0x7  }
0x1d: {  	s18 =	smov.u32 @p2 s14  }
0x1e: {  	s20 =	smov.u32 s12;
	s14 =	sadd.s32 $0x200, s12;
	p3 =	sgt.s32 s18, $0x1F  }
0x1f: {  	s20 =	smov.u32 @p3 s14  }
0x20: {  	s17 =	simm.s32 @p2 $0x0;
	p2 =	sgt.s32 s20, $0x1FF  }
0x21: {  	p1 =	slt.u32 s13, $0x2;
	s20 =	smov.u32 @p2 s3;
	p2 =	sne.s32 s13, s8  }
.Ltmp1:
0x22: {  	s19 =	simm.s32 @!p1 $0x2;
	(pc) =	sbr.rel @!p2 .LBB1_6-.Ltmp1, $4  }
0x23: {  	s16 =	smov.u32 s11;
	s15 =	smov.u32 s12;
	_ =	swait.ge @!p1 [sflag:s19], $0x4000  }
0x24: {  	p0 =	por !p0, !p0;
	[sflag:s19] =	ssyncset.done @!p1 $0x0;
	s18 =	smov.u32 @p3 s5  }
0x25: {  	s14 =	smov.u32 s10;
	[sflag:s19] =	ssyncadd.s32 @!p1 $0xFFFFC000;
	s10 =	smov.u32 s17  }
0x26: {  	s11 =	smov.u32 s18;
	s13 =	sadd.s32 $0x1, s13;
	s12 =	smov.u32 s20  }
.LBB1_1:
0x27: {  	p1 =	sge.u32 s13, s7;
	s31 =	sadd.s32 $0xFFFFFFFF, s13  }
0x28: {  	s17 =	sxor.u32 @!p1 $0xFFFFFFFF, s13;
	s18 =	sshll.u32 @!p1 s12, $0xC;
	s19 =	sshll.u32 @!p1 s11, $0x7  }
0x29: {  	s20 =	sshll.u32 @!p1 s10, $0x4;
	s17 =	sshll.u32 @!p1 s17, $0xE;
	s18 =	sadd.s32 @!p1 s4, s18  }
0x2a: {  	s20 =	sand.u32 @!p1 $0x70, s20;
	s17 =	sand.u32 @!p1 $0x4000, s17;
	s18 =	sadd.s32 @!p1 s19, s18  }
0x2b: {  	s19 =	simm.s32 @!p1 $0x80;
	s18 =	sadd.s32 @!p1 s20, s18;
	s20 =	simm.s32 @!p1 $0x8000  }
0x2c: {  	[tilespmem:s17], [sflag:$0x1] =	stream.strided.gather @!p1 [hbm4b:s18+s19], $0x4000, s20, s19, $0x38;
	[tilespmem:$0x10100] =	vst v63  }
0x2d: {  	p1 =	sge.u32 s31, s7  }
.Ltmp2:
0x2e: {  	_ = 	snop;
	(pc) =	sbr.rel @p1 .LBB1_5-.Ltmp2, $1  }
0x2f: {  	_ =	sdelay $0x3  }
0x30: {  	s17 =	simm.s32 $0x1  }
0x31: {  	_ =	swait.ge [sflag:s6], $0x4000;
	s17 =	simm.s32 @!p0 $0x0  }
0x32: {  	[sflag:s6] =	ssyncset.done $0x0;
	s18 =	sshll.u32 s17, $0xE  }
0x33: {  	[sflag:s6] =	ssyncadd.s32 $0xFFFFC000;
	s19 =	sor.u32 $0x40, s18  }
0x34: {  	s17 =	smul.u32 $0x10200, s17;
	v0 =	vld [tilespmem:s19+$0x30]  }
0x35: {  	v3 =	vld [tilespmem:s19+$0xFFFFFFD0]  }
0x36: {  	s17 =	sshrl.u32 s17, $0x2;
	v4 =	vld [tilespmem:s19+$0xFFFFFFE0]  }
0x37: {  	v5 =	vld [tilespmem:s19+$0xFFFFFFF0];
	s18 =	sor.u32 $0x8000, s17  }
0x38: {  	s31 =	sand.u32 $0x1, s13;
	v1 =	vld [tilespmem:s19+$0x0];
	s20 =	sadd.s32 $0x0, s18  }
0x39: {  	v2 =	vld [tilespmem:s19+$0x10];
	s17 =	smul.u32 $0x10200, s31;
	[tilespmem:s20+$0x3870 ss:$0x81] =	vst.msk $0xffff, v0  }
0x3a: {  	[tilespmem:s20+$0x810 ss:$0x81] =	vst.msk $0xffff, v3;
	v3 =	vld [tilespmem:s19+$0x20]  }
0x3b: {  	s17 =	sshrl.u32 s17, $0x2;
	v0 =	vld [tilespmem:s19+$0xFFFFFFC0];
	[tilespmem:s20+$0x1020 ss:$0x81] =	vst.msk $0xffff, v4;
	s19 =	sadd.s32 $0x80, s19  }
0x3c: {  	s21 =	simm.s32 $0x4;
	s22 =	simm.s32 $0x8;
	s17 =	sor.u32 $0x8000, s17;
	[tilespmem:s20+$0x1830 ss:$0x81] =	vst.msk $0xffff, v5;
	v4 =	vld [tilespmem:s19+$0x30]  }
.LBB1_3:
0x3d: {  	p1 =	sne.s32 s22, $0x1FC;
	v5 =	vld [tilespmem:s19+$0xFFFFFFD0];
	[tilespmem:s20+$0x2040 ss:$0x81] =	vst.msk $0xffff, v1  }
0x3e: {  	v6 =	vld [tilespmem:s19+$0xFFFFFFE0];
	[tilespmem:s20+$0x2850 ss:$0x81] =	vst.msk $0xffff, v2  }
0x3f: {  	s23 =	sshra.s32 s21, $0x2;
	s21 =	smov.u32 s22;
	v7 =	vld [tilespmem:s19+$0xFFFFFFF0];
	[tilespmem:s20+$0x3060 ss:$0x81] =	vst.msk $0xffff, v3  }
.Ltmp3:
0x40: {  	v1 =	vld [tilespmem:s19+$0x0];
	[tilespmem:s20+$0x0 ss:$0x81] =	vst.msk $0xffff, v0;
	s20 =	sadd.s32 s23, s18;
	(pc) =	sbr.rel @p1 .LBB1_3-.Ltmp3, $4  }
0x41: {  	v2 =	vld [tilespmem:s19+$0x10];
	[tilespmem:s20+$0x3870 ss:$0x81] =	vst.msk $0xffff, v4  }
0x42: {  	[tilespmem:s20+$0x810 ss:$0x81] =	vst.msk $0xffff, v5;
	v3 =	vld [tilespmem:s19+$0x20]  }
0x43: {  	v0 =	vld [tilespmem:s19+$0xFFFFFFC0];
	[tilespmem:s20+$0x1020 ss:$0x81] =	vst.msk $0xffff, v6;
	s19 =	sadd.s32 $0x80, s19  }
0x44: {  	s22 =	sadd.s32 $0x4, s22;
	v4 =	vld [tilespmem:s19+$0x30];
	[tilespmem:s20+$0x1830 ss:$0x81] =	vst.msk $0xffff, v7  }
.Ltmp4:
0x45: {  	_ = 	snop;
	(pc) =	sbr.rel .LBB1_4-.Ltmp4, $1  }
0x46: {  	_ =	sdelay $0x3  }
.LBB1_6:
0x47: {  	_ =	sfence.sel $0x180000  }
0x48: {  	s2 =	simm.s32 $0x1;
	[bflag:$0x0] =	sbarrier.arrive $0xFFFF  }
0x49: {  	s31 =	simm.s32 $0x2;
	[sflag:s2] =	ssyncpa.u1 $0x1  }
0x4a: {  	[sflag:s31] =	ssyncpa.u1 $0x1  }
0x4b: {  	p0 =	sne.s32 s0, $0x0;
	_ =	strace $0x90000050  }
0x4c: {  	s0 =	sadd.s32 @!p0 $0x100000, s1;
	[bflag:$0x2] =	sbarrier.arrive $0xFFFF  }
0x4d: {  	[sflag:s0] =	ssyncadd.tile.s32 @!p0 $0x1;
	_ =	shalt  }
.Lfunc_end1:
_tile_overlayer_lowered:
.L_overlay_start_2:
0x4e: {  	(tag) =	ssettag $0x2  }
0x4f: {  	s0 =	rddreg [dreg:$0x0];
	s2 =	stileid.u32  }
0x50: {  	s1 =	rddreg [dreg:$0x1];
	p0 =	sne.s32 s2, $0x0  }
0x51: {  	s3 =	rddreg [dreg:$0x2];
	[bflag:$0x3] =	sbarrier.arrive $0xFFFF;
	s2 =	simm.s32 @!p0 $0x1C01  }
0x52: {  	[timem:s3], [sflag:s2] =	dma.local @!p0 [hbm:s0], s1  }
0x53: {  	s0 =	simm.s32 @!p0 $0x1  }
0x54: {  	_ =	swait.ge @!p0 [sflag:s0], s1  }
0x55: {  	s1 =	ssub.s32 @!p0 $0x0, s1;
	[sflag:s0] =	ssyncset.done @!p0 $0x0  }
0x56: {  	[sflag:s0] =	ssyncadd.s32 @!p0 s1  }
0x57: {  	[bflag:$0x3] =	sbarrier.arrive $0xFFFF  }
0x58: {  	_ =	shalt  }

</sc_bundles>
